<compile_context>
chip_gen: v7x
topology: tpu7x:2x2x1
jax: 0.10.2.dev20260603
libtpu: 0.0.44.dev20260713+nightly
codegen_flags: <defaults>
</compile_context>

<pallas_src>
import functools

import jax
import jax.numpy as jnp
from jax import lax
from jax.experimental import pallas as pl
from jax.experimental.pallas import tpu as pltpu
from jax.experimental.pallas import tpu_sc as plsc

D_MODEL = 128
CHUNK = 64
NBUF = 10


@functools.lru_cache(maxsize=None)
def _build_gather(hist: int, batch: int, n_emb: int):
    info = plsc.get_sparse_core_info()
    nc, ns = info.num_cores, info.num_subcores
    nw = nc * ns
    b_per_w = batch // nw
    cpw = b_per_w // CHUNK
    n_chunks = hist * cpw
    assert batch % (nw * CHUNK) == 0 and n_chunks % NBUF == 0
    n_groups = n_chunks // NBUF

    mesh = plsc.VectorSubcoreMesh(core_axis_name="c", subcore_axis_name="s")

    @functools.partial(
        pl.kernel,
        mesh=mesh,
        out_type=jax.ShapeDtypeStruct((hist * batch, D_MODEL), jnp.float32),
        scratch_types=(
            [pltpu.VMEM((hist, b_per_w), jnp.int32)]
            + [pltpu.VMEM_SHARED((n_emb, D_MODEL), jnp.float32)]
            + [pltpu.VMEM((CHUNK, D_MODEL), jnp.float32) for _ in range(NBUF)]
            + [pltpu.SemaphoreType.DMA for _ in range(2 * NBUF + 1)]
        ),
        compiler_params=pltpu.CompilerParams(use_tc_tiling_on_sc=True),
    )
    def gather(t_hbm, table_hbm, out_hbm, idx_v, table_sh, *bufs_and_sems):
        rows = bufs_and_sems[:NBUF]
        gsem = bufs_and_sems[NBUF:2 * NBUF]
        osem = bufs_and_sems[2 * NBUF:3 * NBUF]
        isem = bufs_and_sems[3 * NBUF]

        sid = lax.axis_index("s")
        wid = sid * nc + lax.axis_index("c")
        col0 = wid * b_per_w

        pltpu.async_copy(t_hbm.at[:, pl.ds(col0, b_per_w)], idx_v, isem)

        tail0 = (n_emb // 128) * 128 if n_emb % 128 else n_emb - 128
        @pl.when(sid < tail0 // 128)
        def _():
            pltpu.sync_copy(table_hbm.at[pl.ds(sid * 128, 128)],
                            table_sh.at[pl.ds(sid * 128, 128)])

        @pl.when(sid == tail0 // 128)
        def _():
            pltpu.sync_copy(table_hbm.at[pl.ds(tail0, n_emb - tail0)],
                            table_sh.at[pl.ds(tail0, n_emb - tail0)])

        pltpu.make_async_copy(t_hbm.at[:, pl.ds(col0, b_per_w)], idx_v, isem).wait()
        plsc.subcore_barrier()

        def out_row0(c):
            h = c // cpw
            q = c - h * cpw
            return h * batch + col0 + q * CHUNK

        def start_gather(c, b):
            h = c // cpw
            q = c - h * cpw
            pltpu.async_copy(
                table_sh.at[idx_v.at[h, pl.ds(q * CHUNK, CHUNK)]],
                rows[b], gsem[b])

        def wait_gather(b):
            pltpu.make_async_copy(
                table_sh.at[pl.ds(0, CHUNK)], rows[b], gsem[b]).wait()

        def start_out(c, b):
            pltpu.async_copy(
                rows[b], out_hbm.at[pl.ds(out_row0(c), CHUNK)], osem[b])

        def wait_out(c, b):
            pltpu.make_async_copy(
                rows[b], out_hbm.at[pl.ds(out_row0(c), CHUNK)], osem[b]).wait()

        for b in range(NBUF):
            start_gather(b, b)

        def group_body(g, carry):
            c0 = g * NBUF
            for b in range(NBUF):
                wait_gather(b)
                start_out(c0 + b, b)
            for b in range(NBUF):
                wait_out(c0 + b, b)
                start_gather(c0 + NBUF + b, b)
            return carry

        lax.fori_loop(0, n_groups - 1, group_body, 0)

        c0 = (n_groups - 1) * NBUF
        for b in range(NBUF):
            wait_gather(b)
            start_out(c0 + b, b)
        for b in range(NBUF):
            wait_out(c0 + b, b)

    return gather


def kernel(t, pos_embedding):
    b, h = t.shape
    t_hmaj = jnp.swapaxes(t, 0, 1).astype(jnp.int32)
    out = _build_gather(h, b, pos_embedding.shape[0])(t_hmaj, pos_embedding)
    return jnp.swapaxes(out.reshape(h, b, D_MODEL), 0, 1)

# --- scband reference (transcript-rebuilt; emitter-appended) ---
"""Pipeline reference for scband-positional-encoding-27668179320832 (READ-ONLY COPY).

The authoritative reference and input builder live on the scoring server;
editing this copy changes nothing except your own understanding.
"""

import jax, jax.numpy as jnp
import numpy as np
import math

D_MODEL = 128
EMBEDDINGS = 1000
BATCH = 16384
HIST = 50

def make_pos_embedding(d_model=D_MODEL, embeddings=EMBEDDINGS):
    den = jnp.exp(-jnp.arange(0, d_model, 2, dtype=jnp.float32) * math.log(10000.0) / d_model)
    pos = jnp.arange(0, embeddings, dtype=jnp.float32).reshape(embeddings, 1)
    pe = jnp.zeros((embeddings, d_model), dtype=jnp.float32)
    pe = pe.at[:, 0::2].set(jnp.sin(pos * den))
    pe = pe.at[:, 1::2].set(jnp.cos(pos * den))
    return pe

def setup_inputs(seed: int = 0) -> dict:
    key = jax.random.key(seed)
    t = jax.random.randint(key, (BATCH, HIST), 0, EMBEDDINGS).astype(jnp.int64)
    pos_embedding = make_pos_embedding()
    return {"t": t, "pos_embedding": pos_embedding}

def reference(t, pos_embedding):
    # Faithful translation of PositionalEncoding.forward: pos_embedding[t]
    return jnp.take(pos_embedding, t, axis=0)

if __name__ == "__main__":
    import jax
    _d = setup_inputs()
    print(jax.jit(kernel)(*tuple(_d.values())))

</pallas_src>

<mosaic_0001>
#map = affine_map<(d0, d1) -> (0, 0)>
module attributes {stable_mosaic.version = 14 : i64} {
  func.func @gather(%arg0: i32, %arg1: i32, %arg2: memref<50x16384xi32, #tpu.memory_space<hbm>>, %arg3: memref<1000x128xf32, #tpu.memory_space<hbm>>, %arg4: memref<819200x128xf32, #tpu.memory_space<hbm>>, %arg5: memref<50x512xi32, #tpu.memory_space<vmem>>, %arg6: memref<1000x128xf32, #tpu.memory_space<vmem_shared>>, %arg7: memref<64x128xf32, #tpu.memory_space<vmem>>, %arg8: memref<64x128xf32, #tpu.memory_space<vmem>>, %arg9: memref<64x128xf32, #tpu.memory_space<vmem>>, %arg10: memref<64x128xf32, #tpu.memory_space<vmem>>, %arg11: memref<64x128xf32, #tpu.memory_space<vmem>>, %arg12: memref<64x128xf32, #tpu.memory_space<vmem>>, %arg13: memref<64x128xf32, #tpu.memory_space<vmem>>, %arg14: memref<64x128xf32, #tpu.memory_space<vmem>>, %arg15: memref<64x128xf32, #tpu.memory_space<vmem>>, %arg16: memref<64x128xf32, #tpu.memory_space<vmem>>, %arg17: memref<!tpu.dma_semaphore, #tpu.memory_space<semaphore_mem>>, %arg18: memref<!tpu.dma_semaphore, #tpu.memory_space<semaphore_mem>>, %arg19: memref<!tpu.dma_semaphore, #tpu.memory_space<semaphore_mem>>, %arg20: memref<!tpu.dma_semaphore, #tpu.memory_space<semaphore_mem>>, %arg21: memref<!tpu.dma_semaphore, #tpu.memory_space<semaphore_mem>>, %arg22: memref<!tpu.dma_semaphore, #tpu.memory_space<semaphore_mem>>, %arg23: memref<!tpu.dma_semaphore, #tpu.memory_space<semaphore_mem>>, %arg24: memref<!tpu.dma_semaphore, #tpu.memory_space<semaphore_mem>>, %arg25: memref<!tpu.dma_semaphore, #tpu.memory_space<semaphore_mem>>, %arg26: memref<!tpu.dma_semaphore, #tpu.memory_space<semaphore_mem>>, %arg27: memref<!tpu.dma_semaphore, #tpu.memory_space<semaphore_mem>>, %arg28: memref<!tpu.dma_semaphore, #tpu.memory_space<semaphore_mem>>, %arg29: memref<!tpu.dma_semaphore, #tpu.memory_space<semaphore_mem>>, %arg30: memref<!tpu.dma_semaphore, #tpu.memory_space<semaphore_mem>>, %arg31: memref<!tpu.dma_semaphore, #tpu.memory_space<semaphore_mem>>, %arg32: memref<!tpu.dma_semaphore, #tpu.memory_space<semaphore_mem>>, %arg33: memref<!tpu.dma_semaphore, #tpu.memory_space<semaphore_mem>>, %arg34: memref<!tpu.dma_semaphore, #tpu.memory_space<semaphore_mem>>, %arg35: memref<!tpu.dma_semaphore, #tpu.memory_space<semaphore_mem>>, %arg36: memref<!tpu.dma_semaphore, #tpu.memory_space<semaphore_mem>>, %arg37: memref<!tpu.dma_semaphore, #tpu.memory_space<semaphore_mem>>) attributes {dimension_semantics = [#tpu.dimension_semantics<core_parallel>, #tpu.dimension_semantics<subcore_parallel>], iteration_bounds = array<i64: 2, 16>, scalar_prefetch = 0 : i64, scratch_operands = 33 : i64, tpu.core_type = #tpu.core_type<sc_vector_subcore>, window_params = [{transform_indices = #map}, {transform_indices = #map}, {transform_indices = #map}]} {
    %mul3A = arith.constant 2 : i32
    %mul3A_0 = arith.muli %arg1, %mul3A : i32
    %add3A = arith.addi %mul3A_0, %arg0 : i32
    %mul3A_1 = arith.constant 512 : i32
    %mul3A_2 = arith.muli %add3A, %mul3A_1 : i32
    %dma_start3A = arith.constant 0 : i32
    %dma_start3A_3 = tpu.memref_slice %arg2[%dma_start3A, %mul3A_2] : memref<50x16384xi32, #tpu.memory_space<hbm>> -> memref<50x512xi32, #tpu.memory_space<hbm>>
    %dma_start3A_4 = arith.constant 0 : i32
    %dma_start3A_5 = tpu.memref_slice %arg2[%dma_start3A_4, %mul3A_2] : memref<50x16384xi32, #tpu.memory_space<hbm>> -> memref<50x512xi32, #tpu.memory_space<hbm>>
    tpu.enqueue_dma source(%dma_start3A_5 : memref<50x512xi32, #tpu.memory_space<hbm>>) target(%arg5 : memref<50x512xi32, #tpu.memory_space<vmem>>) target_semaphore(%arg37 : memref<!tpu.dma_semaphore, #tpu.memory_space<semaphore_mem>>)
    %lt3A = arith.constant 7 : i32
    %lt3A_6 = arith.cmpi slt, %arg1, %lt3A : i32
    %convert_element_type3A = arith.extui %lt3A_6 : i1 to i32
    %cond3A = arith.constant 0 : i32
    %cond3A_7 = arith.cmpi ne, %convert_element_type3A, %cond3A : i32
    scf.if %cond3A_7 {
      %mul3A_310 = arith.constant 128 : i32
      %mul3A_311 = arith.muli %arg1, %mul3A_310 : i32
      %mul3A_312 = arith.constant 128 : i32
      %mul3A_313 = arith.muli %arg1, %mul3A_312 : i32
      "tpu.region"() ({
        %run_scoped3A = tpu.sem_alloc : memref<!tpu.dma_semaphore, #tpu.memory_space<semaphore_mem>>
        %dma_start3A_314 = arith.constant 0 : i32
        %dma_start3A_315 = tpu.memref_slice %arg6[%mul3A_313, %dma_start3A_314] : memref<1000x128xf32, #tpu.memory_space<vmem_shared>> -> memref<128x128xf32, #tpu.memory_space<vmem_shared>>
        %dma_start3A_316 = arith.constant 0 : i32
        %dma_start3A_317 = tpu.memref_slice %arg3[%mul3A_311, %dma_start3A_316] : memref<1000x128xf32, #tpu.memory_space<hbm>> -> memref<128x128xf32, #tpu.memory_space<hbm>>
        tpu.enqueue_dma source(%dma_start3A_317 : memref<128x128xf32, #tpu.memory_space<hbm>>) target(%dma_start3A_315 : memref<128x128xf32, #tpu.memory_space<vmem_shared>>) target_semaphore(%run_scoped3A : memref<!tpu.dma_semaphore, #tpu.memory_space<semaphore_mem>>)
        %dma_wait3A_318 = arith.constant 0 : i32
        %dma_wait3A_319 = tpu.memref_slice %arg6[%mul3A_313, %dma_wait3A_318] : memref<1000x128xf32, #tpu.memory_space<vmem_shared>> -> memref<128x128xf32, #tpu.memory_space<vmem_shared>>
        %dma_wait3A_320 = arith.constant 0 : i32
        %dma_wait3A_321 = tpu.memref_slice %arg3[%mul3A_311, %dma_wait3A_320] : memref<1000x128xf32, #tpu.memory_space<hbm>> -> memref<128x128xf32, #tpu.memory_space<hbm>>
        tpu.wait_dma2 semaphore(%run_scoped3A : memref<!tpu.dma_semaphore, #tpu.memory_space<semaphore_mem>>) src(%dma_wait3A_321 : memref<128x128xf32, #tpu.memory_space<hbm>>) dst(%dma_wait3A_319 : memref<128x128xf32, #tpu.memory_space<vmem_shared>>)
        tpu.yield
      }) : () -> ()
    } else {
    }
    %eq3A = arith.constant 7 : i32
    %eq3A_8 = arith.cmpi eq, %arg1, %eq3A : i32
    %convert_element_type3A_9 = arith.extui %eq3A_8 : i1 to i32
    %cond3A_10 = arith.constant 0 : i32
    %cond3A_11 = arith.cmpi ne, %convert_element_type3A_9, %cond3A_10 : i32
    scf.if %cond3A_11 {
      "tpu.region"() ({
        %run_scoped3A = tpu.sem_alloc : memref<!tpu.dma_semaphore, #tpu.memory_space<semaphore_mem>>
        %dma_start3A_310 = arith.constant 896 : i32
        %dma_start3A_311 = arith.constant 0 : i32
        %dma_start3A_312 = tpu.memref_slice %arg6[%dma_start3A_310, %dma_start3A_311] : memref<1000x128xf32, #tpu.memory_space<vmem_shared>> -> memref<104x128xf32, #tpu.memory_space<vmem_shared>>
        %dma_start3A_313 = arith.constant 896 : i32
        %dma_start3A_314 = arith.constant 0 : i32
        %dma_start3A_315 = tpu.memref_slice %arg3[%dma_start3A_313, %dma_start3A_314] : memref<1000x128xf32, #tpu.memory_space<hbm>> -> memref<104x128xf32, #tpu.memory_space<hbm>>
        tpu.enqueue_dma source(%dma_start3A_315 : memref<104x128xf32, #tpu.memory_space<hbm>>) target(%dma_start3A_312 : memref<104x128xf32, #tpu.memory_space<vmem_shared>>) target_semaphore(%run_scoped3A : memref<!tpu.dma_semaphore, #tpu.memory_space<semaphore_mem>>)
        %dma_wait3A_316 = arith.constant 896 : i32
        %dma_wait3A_317 = arith.constant 0 : i32
        %dma_wait3A_318 = tpu.memref_slice %arg6[%dma_wait3A_316, %dma_wait3A_317] : memref<1000x128xf32, #tpu.memory_space<vmem_shared>> -> memref<104x128xf32, #tpu.memory_space<vmem_shared>>
        %dma_wait3A_319 = arith.constant 896 : i32
        %dma_wait3A_320 = arith.constant 0 : i32
        %dma_wait3A_321 = tpu.memref_slice %arg3[%dma_wait3A_319, %dma_wait3A_320] : memref<1000x128xf32, #tpu.memory_space<hbm>> -> memref<104x128xf32, #tpu.memory_space<hbm>>
        tpu.wait_dma2 semaphore(%run_scoped3A : memref<!tpu.dma_semaphore, #tpu.memory_space<semaphore_mem>>) src(%dma_wait3A_321 : memref<104x128xf32, #tpu.memory_space<hbm>>) dst(%dma_wait3A_318 : memref<104x128xf32, #tpu.memory_space<vmem_shared>>)
        tpu.yield
      }) : () -> ()
    } else {
    }
    %dma_wait3A = arith.constant 0 : i32
    %dma_wait3A_12 = tpu.memref_slice %arg2[%dma_wait3A, %mul3A_2] : memref<50x16384xi32, #tpu.memory_space<hbm>> -> memref<50x512xi32, #tpu.memory_space<hbm>>
    %dma_wait3A_13 = arith.constant 0 : i32
    %dma_wait3A_14 = tpu.memref_slice %arg2[%dma_wait3A_13, %mul3A_2] : memref<50x16384xi32, #tpu.memory_space<hbm>> -> memref<50x512xi32, #tpu.memory_space<hbm>>
    tpu.wait_dma2 semaphore(%arg37 : memref<!tpu.dma_semaphore, #tpu.memory_space<semaphore_mem>>) src(%dma_wait3A_14 : memref<50x512xi32, #tpu.memory_space<hbm>>) dst(%arg5 : memref<50x512xi32, #tpu.memory_space<vmem>>)
    %barrier3A = arith.constant 0 : index
    tpu.barrier barrier_id(%barrier3A)
    %dma_start3A_15 = arith.constant 0 : i32
    %dma_start3A_16 = arith.constant 0 : i32
    %dma_start3A_17 = tpu.memref_slice %arg5[%dma_start3A_15, %dma_start3A_16] : memref<50x512xi32, #tpu.memory_space<vmem>> -> memref<1x64xi32, #tpu.memory_space<vmem>>
    %dma_start3A_18 = tpu.memref_squeeze %dma_start3A_17 : memref<1x64xi32, #tpu.memory_space<vmem>> -> memref<64xi32, #tpu.memory_space<vmem>>
    %dma_start3A_19 = arith.constant 0 : i32
    %dma_start3A_20 = arith.constant 0 : i32
    %dma_start3A_21 = tpu.memref_slice %arg6[%dma_start3A_19, %dma_start3A_20] : memref<1000x128xf32, #tpu.memory_space<vmem_shared>> -> memref<1000x128xf32, #tpu.memory_space<vmem_shared>>
    tpu.enqueue_indirect_dma source(%dma_start3A_21 : memref<1000x128xf32, #tpu.memory_space<vmem_shared>>) target(%arg7 : memref<64x128xf32, #tpu.memory_space<vmem>>) offsets(%dma_start3A_18 : memref<64xi32, #tpu.memory_space<vmem>>) semaphore(%arg17 : memref<!tpu.dma_semaphore, #tpu.memory_space<semaphore_mem>>)
    %dma_start3A_22 = arith.constant 0 : i32
    %dma_start3A_23 = arith.constant 64 : i32
    %dma_start3A_24 = tpu.memref_slice %arg5[%dma_start3A_22, %dma_start3A_23] : memref<50x512xi32, #tpu.memory_space<vmem>> -> memref<1x64xi32, #tpu.memory_space<vmem>>
    %dma_start3A_25 = tpu.memref_squeeze %dma_start3A_24 : memref<1x64xi32, #tpu.memory_space<vmem>> -> memref<64xi32, #tpu.memory_space<vmem>>
    %dma_start3A_26 = arith.constant 0 : i32
    %dma_start3A_27 = arith.constant 0 : i32
    %dma_start3A_28 = tpu.memref_slice %arg6[%dma_start3A_26, %dma_start3A_27] : memref<1000x128xf32, #tpu.memory_space<vmem_shared>> -> memref<1000x128xf32, #tpu.memory_space<vmem_shared>>
    tpu.enqueue_indirect_dma source(%dma_start3A_28 : memref<1000x128xf32, #tpu.memory_space<vmem_shared>>) target(%arg8 : memref<64x128xf32, #tpu.memory_space<vmem>>) offsets(%dma_start3A_25 : memref<64xi32, #tpu.memory_space<vmem>>) semaphore(%arg18 : memref<!tpu.dma_semaphore, #tpu.memory_space<semaphore_mem>>)
    %dma_start3A_29 = arith.constant 0 : i32
    %dma_start3A_30 = arith.constant 128 : i32
    %dma_start3A_31 = tpu.memref_slice %arg5[%dma_start3A_29, %dma_start3A_30] : memref<50x512xi32, #tpu.memory_space<vmem>> -> memref<1x64xi32, #tpu.memory_space<vmem>>
    %dma_start3A_32 = tpu.memref_squeeze %dma_start3A_31 : memref<1x64xi32, #tpu.memory_space<vmem>> -> memref<64xi32, #tpu.memory_space<vmem>>
    %dma_start3A_33 = arith.constant 0 : i32
    %dma_start3A_34 = arith.constant 0 : i32
    %dma_start3A_35 = tpu.memref_slice %arg6[%dma_start3A_33, %dma_start3A_34] : memref<1000x128xf32, #tpu.memory_space<vmem_shared>> -> memref<1000x128xf32, #tpu.memory_space<vmem_shared>>
    tpu.enqueue_indirect_dma source(%dma_start3A_35 : memref<1000x128xf32, #tpu.memory_space<vmem_shared>>) target(%arg9 : memref<64x128xf32, #tpu.memory_space<vmem>>) offsets(%dma_start3A_32 : memref<64xi32, #tpu.memory_space<vmem>>) semaphore(%arg19 : memref<!tpu.dma_semaphore, #tpu.memory_space<semaphore_mem>>)
    %dma_start3A_36 = arith.constant 0 : i32
    %dma_start3A_37 = arith.constant 192 : i32
    %dma_start3A_38 = tpu.memref_slice %arg5[%dma_start3A_36, %dma_start3A_37] : memref<50x512xi32, #tpu.memory_space<vmem>> -> memref<1x64xi32, #tpu.memory_space<vmem>>
    %dma_start3A_39 = tpu.memref_squeeze %dma_start3A_38 : memref<1x64xi32, #tpu.memory_space<vmem>> -> memref<64xi32, #tpu.memory_space<vmem>>
    %dma_start3A_40 = arith.constant 0 : i32
    %dma_start3A_41 = arith.constant 0 : i32
    %dma_start3A_42 = tpu.memref_slice %arg6[%dma_start3A_40, %dma_start3A_41] : memref<1000x128xf32, #tpu.memory_space<vmem_shared>> -> memref<1000x128xf32, #tpu.memory_space<vmem_shared>>
    tpu.enqueue_indirect_dma source(%dma_start3A_42 : memref<1000x128xf32, #tpu.memory_space<vmem_shared>>) target(%arg10 : memref<64x128xf32, #tpu.memory_space<vmem>>) offsets(%dma_start3A_39 : memref<64xi32, #tpu.memory_space<vmem>>) semaphore(%arg20 : memref<!tpu.dma_semaphore, #tpu.memory_space<semaphore_mem>>)
    %dma_start3A_43 = arith.constant 0 : i32
    %dma_start3A_44 = arith.constant 256 : i32
    %dma_start3A_45 = tpu.memref_slice %arg5[%dma_start3A_43, %dma_start3A_44] : memref<50x512xi32, #tpu.memory_space<vmem>> -> memref<1x64xi32, #tpu.memory_space<vmem>>
    %dma_start3A_46 = tpu.memref_squeeze %dma_start3A_45 : memref<1x64xi32, #tpu.memory_space<vmem>> -> memref<64xi32, #tpu.memory_space<vmem>>
    %dma_start3A_47 = arith.constant 0 : i32
    %dma_start3A_48 = arith.constant 0 : i32
    %dma_start3A_49 = tpu.memref_slice %arg6[%dma_start3A_47, %dma_start3A_48] : memref<1000x128xf32, #tpu.memory_space<vmem_shared>> -> memref<1000x128xf32, #tpu.memory_space<vmem_shared>>
    tpu.enqueue_indirect_dma source(%dma_start3A_49 : memref<1000x128xf32, #tpu.memory_space<vmem_shared>>) target(%arg11 : memref<64x128xf32, #tpu.memory_space<vmem>>) offsets(%dma_start3A_46 : memref<64xi32, #tpu.memory_space<vmem>>) semaphore(%arg21 : memref<!tpu.dma_semaphore, #tpu.memory_space<semaphore_mem>>)
    %dma_start3A_50 = arith.constant 0 : i32
    %dma_start3A_51 = arith.constant 320 : i32
    %dma_start3A_52 = tpu.memref_slice %arg5[%dma_start3A_50, %dma_start3A_51] : memref<50x512xi32, #tpu.memory_space<vmem>> -> memref<1x64xi32, #tpu.memory_space<vmem>>
    %dma_start3A_53 = tpu.memref_squeeze %dma_start3A_52 : memref<1x64xi32, #tpu.memory_space<vmem>> -> memref<64xi32, #tpu.memory_space<vmem>>
    %dma_start3A_54 = arith.constant 0 : i32
    %dma_start3A_55 = arith.constant 0 : i32
    %dma_start3A_56 = tpu.memref_slice %arg6[%dma_start3A_54, %dma_start3A_55] : memref<1000x128xf32, #tpu.memory_space<vmem_shared>> -> memref<1000x128xf32, #tpu.memory_space<vmem_shared>>
    tpu.enqueue_indirect_dma source(%dma_start3A_56 : memref<1000x128xf32, #tpu.memory_space<vmem_shared>>) target(%arg12 : memref<64x128xf32, #tpu.memory_space<vmem>>) offsets(%dma_start3A_53 : memref<64xi32, #tpu.memory_space<vmem>>) semaphore(%arg22 : memref<!tpu.dma_semaphore, #tpu.memory_space<semaphore_mem>>)
    %dma_start3A_57 = arith.constant 0 : i32
    %dma_start3A_58 = arith.constant 384 : i32
    %dma_start3A_59 = tpu.memref_slice %arg5[%dma_start3A_57, %dma_start3A_58] : memref<50x512xi32, #tpu.memory_space<vmem>> -> memref<1x64xi32, #tpu.memory_space<vmem>>
    %dma_start3A_60 = tpu.memref_squeeze %dma_start3A_59 : memref<1x64xi32, #tpu.memory_space<vmem>> -> memref<64xi32, #tpu.memory_space<vmem>>
    %dma_start3A_61 = arith.constant 0 : i32
    %dma_start3A_62 = arith.constant 0 : i32
    %dma_start3A_63 = tpu.memref_slice %arg6[%dma_start3A_61, %dma_start3A_62] : memref<1000x128xf32, #tpu.memory_space<vmem_shared>> -> memref<1000x128xf32, #tpu.memory_space<vmem_shared>>
    tpu.enqueue_indirect_dma source(%dma_start3A_63 : memref<1000x128xf32, #tpu.memory_space<vmem_shared>>) target(%arg13 : memref<64x128xf32, #tpu.memory_space<vmem>>) offsets(%dma_start3A_60 : memref<64xi32, #tpu.memory_space<vmem>>) semaphore(%arg23 : memref<!tpu.dma_semaphore, #tpu.memory_space<semaphore_mem>>)
    %dma_start3A_64 = arith.constant 0 : i32
    %dma_start3A_65 = arith.constant 448 : i32
    %dma_start3A_66 = tpu.memref_slice %arg5[%dma_start3A_64, %dma_start3A_65] : memref<50x512xi32, #tpu.memory_space<vmem>> -> memref<1x64xi32, #tpu.memory_space<vmem>>
    %dma_start3A_67 = tpu.memref_squeeze %dma_start3A_66 : memref<1x64xi32, #tpu.memory_space<vmem>> -> memref<64xi32, #tpu.memory_space<vmem>>
    %dma_start3A_68 = arith.constant 0 : i32
    %dma_start3A_69 = arith.constant 0 : i32
    %dma_start3A_70 = tpu.memref_slice %arg6[%dma_start3A_68, %dma_start3A_69] : memref<1000x128xf32, #tpu.memory_space<vmem_shared>> -> memref<1000x128xf32, #tpu.memory_space<vmem_shared>>
    tpu.enqueue_indirect_dma source(%dma_start3A_70 : memref<1000x128xf32, #tpu.memory_space<vmem_shared>>) target(%arg14 : memref<64x128xf32, #tpu.memory_space<vmem>>) offsets(%dma_start3A_67 : memref<64xi32, #tpu.memory_space<vmem>>) semaphore(%arg24 : memref<!tpu.dma_semaphore, #tpu.memory_space<semaphore_mem>>)
    %dma_start3A_71 = arith.constant 1 : i32
    %dma_start3A_72 = arith.constant 0 : i32
    %dma_start3A_73 = tpu.memref_slice %arg5[%dma_start3A_71, %dma_start3A_72] : memref<50x512xi32, #tpu.memory_space<vmem>> -> memref<1x64xi32, #tpu.memory_space<vmem>>
    %dma_start3A_74 = tpu.memref_squeeze %dma_start3A_73 : memref<1x64xi32, #tpu.memory_space<vmem>> -> memref<64xi32, #tpu.memory_space<vmem>>
    %dma_start3A_75 = arith.constant 0 : i32
    %dma_start3A_76 = arith.constant 0 : i32
    %dma_start3A_77 = tpu.memref_slice %arg6[%dma_start3A_75, %dma_start3A_76] : memref<1000x128xf32, #tpu.memory_space<vmem_shared>> -> memref<1000x128xf32, #tpu.memory_space<vmem_shared>>
    tpu.enqueue_indirect_dma source(%dma_start3A_77 : memref<1000x128xf32, #tpu.memory_space<vmem_shared>>) target(%arg15 : memref<64x128xf32, #tpu.memory_space<vmem>>) offsets(%dma_start3A_74 : memref<64xi32, #tpu.memory_space<vmem>>) semaphore(%arg25 : memref<!tpu.dma_semaphore, #tpu.memory_space<semaphore_mem>>)
    %dma_start3A_78 = arith.constant 1 : i32
    %dma_start3A_79 = arith.constant 64 : i32
    %dma_start3A_80 = tpu.memref_slice %arg5[%dma_start3A_78, %dma_start3A_79] : memref<50x512xi32, #tpu.memory_space<vmem>> -> memref<1x64xi32, #tpu.memory_space<vmem>>
    %dma_start3A_81 = tpu.memref_squeeze %dma_start3A_80 : memref<1x64xi32, #tpu.memory_space<vmem>> -> memref<64xi32, #tpu.memory_space<vmem>>
    %dma_start3A_82 = arith.constant 0 : i32
    %dma_start3A_83 = arith.constant 0 : i32
    %dma_start3A_84 = tpu.memref_slice %arg6[%dma_start3A_82, %dma_start3A_83] : memref<1000x128xf32, #tpu.memory_space<vmem_shared>> -> memref<1000x128xf32, #tpu.memory_space<vmem_shared>>
    tpu.enqueue_indirect_dma source(%dma_start3A_84 : memref<1000x128xf32, #tpu.memory_space<vmem_shared>>) target(%arg16 : memref<64x128xf32, #tpu.memory_space<vmem>>) offsets(%dma_start3A_81 : memref<64xi32, #tpu.memory_space<vmem>>) semaphore(%arg26 : memref<!tpu.dma_semaphore, #tpu.memory_space<semaphore_mem>>)
    %scan3A = arith.constant 0 : i32
    %scan3A_85 = arith.constant 0 : i32
    %scan3A_86 = arith.constant 39 : i32
    %scan3A_87 = arith.addi %scan3A_85, %scan3A_86 : i32
    %scan3A_88 = arith.constant 1 : i32
    scf.for %scan3A_310 = %scan3A_85 to %scan3A_87 step %scan3A_88  : i32 {
      %mul3A_311 = arith.constant 10 : i32
      %mul3A_312 = arith.muli %scan3A_310, %mul3A_311 : i32
      %dma_wait3A_313 = arith.constant 0 : i32
      %dma_wait3A_314 = arith.constant 0 : i32
      %dma_wait3A_315 = tpu.memref_slice %arg6[%dma_wait3A_313, %dma_wait3A_314] : memref<1000x128xf32, #tpu.memory_space<vmem_shared>> -> memref<64x128xf32, #tpu.memory_space<vmem_shared>>
      %dma_wait3A_316 = arith.constant 0 : i32
      %dma_wait3A_317 = arith.constant 0 : i32
      %dma_wait3A_318 = tpu.memref_slice %arg6[%dma_wait3A_316, %dma_wait3A_317] : memref<1000x128xf32, #tpu.memory_space<vmem_shared>> -> memref<64x128xf32, #tpu.memory_space<vmem_shared>>
      tpu.wait_dma2 semaphore(%arg17 : memref<!tpu.dma_semaphore, #tpu.memory_space<semaphore_mem>>) src(%dma_wait3A_318 : memref<64x128xf32, #tpu.memory_space<vmem_shared>>) dst(%arg7 : memref<64x128xf32, #tpu.memory_space<vmem>>)
      %add3A_319 = arith.constant 0 : i32
      %add3A_320 = arith.addi %mul3A_312, %add3A_319 : i32
      %jit3A = arith.constant 8 : i32
      %div3A = arith.divsi %add3A_320, %jit3A : i32
      %sign3A = arith.constant 0 : i32
      %sign3A_321 = arith.cmpi sgt, %add3A_320, %sign3A : i32
      %sign3A_322 = arith.extui %sign3A_321 : i1 to i32
      %sign3A_323 = arith.constant 0 : i32
      %sign3A_324 = arith.cmpi slt, %add3A_320, %sign3A_323 : i32
      %sign3A_325 = arith.extui %sign3A_324 : i1 to i32
      %sign3A_326 = arith.subi %sign3A_322, %sign3A_325 : i32
      %sign3A_327 = arith.constant 0 : i32
      %sign3A_328 = arith.cmpi sgt, %jit3A, %sign3A_327 : i32
      %sign3A_329 = arith.extui %sign3A_328 : i1 to i32
      %sign3A_330 = arith.constant 0 : i32
      %sign3A_331 = arith.cmpi slt, %jit3A, %sign3A_330 : i32
      %sign3A_332 = arith.extui %sign3A_331 : i1 to i32
      %sign3A_333 = arith.subi %sign3A_329, %sign3A_332 : i32
      %ne3A = arith.cmpi ne, %sign3A_326, %sign3A_333 : i32
      %rem3A = arith.remsi %add3A_320, %jit3A : i32
      %ne3A_334 = arith.constant 0 : i32
      %ne3A_335 = arith.cmpi ne, %rem3A, %ne3A_334 : i32
      %and3A = arith.andi %ne3A, %ne3A_335 : i1
      %sub3A = arith.constant 1 : i32
      %sub3A_336 = arith.subi %div3A, %sub3A : i32
      %select_n3A = arith.select %and3A, %sub3A_336, %div3A : i32
      %mul3A_337 = arith.constant 8 : i32
      %mul3A_338 = arith.muli %select_n3A, %mul3A_337 : i32
      %sub3A_339 = arith.subi %add3A_320, %mul3A_338 : i32
      %mul3A_340 = arith.constant 16384 : i32
      %mul3A_341 = arith.muli %select_n3A, %mul3A_340 : i32
      %add3A_342 = arith.addi %mul3A_341, %mul3A_2 : i32
      %mul3A_343 = arith.constant 64 : i32
      %mul3A_344 = arith.muli %sub3A_339, %mul3A_343 : i32
      %add3A_345 = arith.addi %add3A_342, %mul3A_344 : i32
      %dma_start3A_346 = arith.constant 0 : i32
      %dma_start3A_347 = tpu.memref_slice %arg4[%add3A_345, %dma_start3A_346] : memref<819200x128xf32, #tpu.memory_space<hbm>> -> memref<64x128xf32, #tpu.memory_space<hbm>>
      %dma_start3A_348 = arith.constant 0 : i32
      %dma_start3A_349 = tpu.memref_slice %arg4[%add3A_345, %dma_start3A_348] : memref<819200x128xf32, #tpu.memory_space<hbm>> -> memref<64x128xf32, #tpu.memory_space<hbm>>
      tpu.enqueue_dma source(%arg7 : memref<64x128xf32, #tpu.memory_space<vmem>>) target(%dma_start3A_349 : memref<64x128xf32, #tpu.memory_space<hbm>>) target_semaphore(%arg27 : memref<!tpu.dma_semaphore, #tpu.memory_space<semaphore_mem>>)
      %dma_wait3A_350 = arith.constant 0 : i32
      %dma_wait3A_351 = arith.constant 0 : i32
      %dma_wait3A_352 = tpu.memref_slice %arg6[%dma_wait3A_350, %dma_wait3A_351] : memref<1000x128xf32, #tpu.memory_space<vmem_shared>> -> memref<64x128xf32, #tpu.memory_space<vmem_shared>>
      %dma_wait3A_353 = arith.constant 0 : i32
      %dma_wait3A_354 = arith.constant 0 : i32
      %dma_wait3A_355 = tpu.memref_slice %arg6[%dma_wait3A_353, %dma_wait3A_354] : memref<1000x128xf32, #tpu.memory_space<vmem_shared>> -> memref<64x128xf32, #tpu.memory_space<vmem_shared>>
      tpu.wait_dma2 semaphore(%arg18 : memref<!tpu.dma_semaphore, #tpu.memory_space<semaphore_mem>>) src(%dma_wait3A_355 : memref<64x128xf32, #tpu.memory_space<vmem_shared>>) dst(%arg8 : memref<64x128xf32, #tpu.memory_space<vmem>>)
      %add3A_356 = arith.constant 1 : i32
      %add3A_357 = arith.addi %mul3A_312, %add3A_356 : i32
      %jit3A_358 = arith.constant 8 : i32
      %div3A_359 = arith.divsi %add3A_357, %jit3A_358 : i32
      %sign3A_360 = arith.constant 0 : i32
      %sign3A_361 = arith.cmpi sgt, %add3A_357, %sign3A_360 : i32
      %sign3A_362 = arith.extui %sign3A_361 : i1 to i32
      %sign3A_363 = arith.constant 0 : i32
      %sign3A_364 = arith.cmpi slt, %add3A_357, %sign3A_363 : i32
      %sign3A_365 = arith.extui %sign3A_364 : i1 to i32
      %sign3A_366 = arith.subi %sign3A_362, %sign3A_365 : i32
      %sign3A_367 = arith.constant 0 : i32
      %sign3A_368 = arith.cmpi sgt, %jit3A_358, %sign3A_367 : i32
      %sign3A_369 = arith.extui %sign3A_368 : i1 to i32
      %sign3A_370 = arith.constant 0 : i32
      %sign3A_371 = arith.cmpi slt, %jit3A_358, %sign3A_370 : i32
      %sign3A_372 = arith.extui %sign3A_371 : i1 to i32
      %sign3A_373 = arith.subi %sign3A_369, %sign3A_372 : i32
      %ne3A_374 = arith.cmpi ne, %sign3A_366, %sign3A_373 : i32
      %rem3A_375 = arith.remsi %add3A_357, %jit3A_358 : i32
      %ne3A_376 = arith.constant 0 : i32
      %ne3A_377 = arith.cmpi ne, %rem3A_375, %ne3A_376 : i32
      %and3A_378 = arith.andi %ne3A_374, %ne3A_377 : i1
      %sub3A_379 = arith.constant 1 : i32
      %sub3A_380 = arith.subi %div3A_359, %sub3A_379 : i32
      %select_n3A_381 = arith.select %and3A_378, %sub3A_380, %div3A_359 : i32
      %mul3A_382 = arith.constant 8 : i32
      %mul3A_383 = arith.muli %select_n3A_381, %mul3A_382 : i32
      %sub3A_384 = arith.subi %add3A_357, %mul3A_383 : i32
      %mul3A_385 = arith.constant 16384 : i32
      %mul3A_386 = arith.muli %select_n3A_381, %mul3A_385 : i32
      %add3A_387 = arith.addi %mul3A_386, %mul3A_2 : i32
      %mul3A_388 = arith.constant 64 : i32
      %mul3A_389 = arith.muli %sub3A_384, %mul3A_388 : i32
      %add3A_390 = arith.addi %add3A_387, %mul3A_389 : i32
      %dma_start3A_391 = arith.constant 0 : i32
      %dma_start3A_392 = tpu.memref_slice %arg4[%add3A_390, %dma_start3A_391] : memref<819200x128xf32, #tpu.memory_space<hbm>> -> memref<64x128xf32, #tpu.memory_space<hbm>>
      %dma_start3A_393 = arith.constant 0 : i32
      %dma_start3A_394 = tpu.memref_slice %arg4[%add3A_390, %dma_start3A_393] : memref<819200x128xf32, #tpu.memory_space<hbm>> -> memref<64x128xf32, #tpu.memory_space<hbm>>
      tpu.enqueue_dma source(%arg8 : memref<64x128xf32, #tpu.memory_space<vmem>>) target(%dma_start3A_394 : memref<64x128xf32, #tpu.memory_space<hbm>>) target_semaphore(%arg28 : memref<!tpu.dma_semaphore, #tpu.memory_space<semaphore_mem>>)
      %dma_wait3A_395 = arith.constant 0 : i32
      %dma_wait3A_396 = arith.constant 0 : i32
      %dma_wait3A_397 = tpu.memref_slice %arg6[%dma_wait3A_395, %dma_wait3A_396] : memref<1000x128xf32, #tpu.memory_space<vmem_shared>> -> memref<64x128xf32, #tpu.memory_space<vmem_shared>>
      %dma_wait3A_398 = arith.constant 0 : i32
      %dma_wait3A_399 = arith.constant 0 : i32
      %dma_wait3A_400 = tpu.memref_slice %arg6[%dma_wait3A_398, %dma_wait3A_399] : memref<1000x128xf32, #tpu.memory_space<vmem_shared>> -> memref<64x128xf32, #tpu.memory_space<vmem_shared>>
      tpu.wait_dma2 semaphore(%arg19 : memref<!tpu.dma_semaphore, #tpu.memory_space<semaphore_mem>>) src(%dma_wait3A_400 : memref<64x128xf32, #tpu.memory_space<vmem_shared>>) dst(%arg9 : memref<64x128xf32, #tpu.memory_space<vmem>>)
      %add3A_401 = arith.constant 2 : i32
      %add3A_402 = arith.addi %mul3A_312, %add3A_401 : i32
      %jit3A_403 = arith.constant 8 : i32
      %div3A_404 = arith.divsi %add3A_402, %jit3A_403 : i32
      %sign3A_405 = arith.constant 0 : i32
      %sign3A_406 = arith.cmpi sgt, %add3A_402, %sign3A_405 : i32
      %sign3A_407 = arith.extui %sign3A_406 : i1 to i32
      %sign3A_408 = arith.constant 0 : i32
      %sign3A_409 = arith.cmpi slt, %add3A_402, %sign3A_408 : i32
      %sign3A_410 = arith.extui %sign3A_409 : i1 to i32
      %sign3A_411 = arith.subi %sign3A_407, %sign3A_410 : i32
      %sign3A_412 = arith.constant 0 : i32
      %sign3A_413 = arith.cmpi sgt, %jit3A_403, %sign3A_412 : i32
      %sign3A_414 = arith.extui %sign3A_413 : i1 to i32
      %sign3A_415 = arith.constant 0 : i32
      %sign3A_416 = arith.cmpi slt, %jit3A_403, %sign3A_415 : i32
      %sign3A_417 = arith.extui %sign3A_416 : i1 to i32
      %sign3A_418 = arith.subi %sign3A_414, %sign3A_417 : i32
      %ne3A_419 = arith.cmpi ne, %sign3A_411, %sign3A_418 : i32
      %rem3A_420 = arith.remsi %add3A_402, %jit3A_403 : i32
      %ne3A_421 = arith.constant 0 : i32
      %ne3A_422 = arith.cmpi ne, %rem3A_420, %ne3A_421 : i32
      %and3A_423 = arith.andi %ne3A_419, %ne3A_422 : i1
      %sub3A_424 = arith.constant 1 : i32
      %sub3A_425 = arith.subi %div3A_404, %sub3A_424 : i32
      %select_n3A_426 = arith.select %and3A_423, %sub3A_425, %div3A_404 : i32
      %mul3A_427 = arith.constant 8 : i32
      %mul3A_428 = arith.muli %select_n3A_426, %mul3A_427 : i32
      %sub3A_429 = arith.subi %add3A_402, %mul3A_428 : i32
      %mul3A_430 = arith.constant 16384 : i32
      %mul3A_431 = arith.muli %select_n3A_426, %mul3A_430 : i32
      %add3A_432 = arith.addi %mul3A_431, %mul3A_2 : i32
      %mul3A_433 = arith.constant 64 : i32
      %mul3A_434 = arith.muli %sub3A_429, %mul3A_433 : i32
      %add3A_435 = arith.addi %add3A_432, %mul3A_434 : i32
      %dma_start3A_436 = arith.constant 0 : i32
      %dma_start3A_437 = tpu.memref_slice %arg4[%add3A_435, %dma_start3A_436] : memref<819200x128xf32, #tpu.memory_space<hbm>> -> memref<64x128xf32, #tpu.memory_space<hbm>>
      %dma_start3A_438 = arith.constant 0 : i32
      %dma_start3A_439 = tpu.memref_slice %arg4[%add3A_435, %dma_start3A_438] : memref<819200x128xf32, #tpu.memory_space<hbm>> -> memref<64x128xf32, #tpu.memory_space<hbm>>
      tpu.enqueue_dma source(%arg9 : memref<64x128xf32, #tpu.memory_space<vmem>>) target(%dma_start3A_439 : memref<64x128xf32, #tpu.memory_space<hbm>>) target_semaphore(%arg29 : memref<!tpu.dma_semaphore, #tpu.memory_space<semaphore_mem>>)
      %dma_wait3A_440 = arith.constant 0 : i32
      %dma_wait3A_441 = arith.constant 0 : i32
      %dma_wait3A_442 = tpu.memref_slice %arg6[%dma_wait3A_440, %dma_wait3A_441] : memref<1000x128xf32, #tpu.memory_space<vmem_shared>> -> memref<64x128xf32, #tpu.memory_space<vmem_shared>>
      %dma_wait3A_443 = arith.constant 0 : i32
      %dma_wait3A_444 = arith.constant 0 : i32
      %dma_wait3A_445 = tpu.memref_slice %arg6[%dma_wait3A_443, %dma_wait3A_444] : memref<1000x128xf32, #tpu.memory_space<vmem_shared>> -> memref<64x128xf32, #tpu.memory_space<vmem_shared>>
      tpu.wait_dma2 semaphore(%arg20 : memref<!tpu.dma_semaphore, #tpu.memory_space<semaphore_mem>>) src(%dma_wait3A_445 : memref<64x128xf32, #tpu.memory_space<vmem_shared>>) dst(%arg10 : memref<64x128xf32, #tpu.memory_space<vmem>>)
      %add3A_446 = arith.constant 3 : i32
      %add3A_447 = arith.addi %mul3A_312, %add3A_446 : i32
      %jit3A_448 = arith.constant 8 : i32
      %div3A_449 = arith.divsi %add3A_447, %jit3A_448 : i32
      %sign3A_450 = arith.constant 0 : i32
      %sign3A_451 = arith.cmpi sgt, %add3A_447, %sign3A_450 : i32
      %sign3A_452 = arith.extui %sign3A_451 : i1 to i32
      %sign3A_453 = arith.constant 0 : i32
      %sign3A_454 = arith.cmpi slt, %add3A_447, %sign3A_453 : i32
      %sign3A_455 = arith.extui %sign3A_454 : i1 to i32
      %sign3A_456 = arith.subi %sign3A_452, %sign3A_455 : i32
      %sign3A_457 = arith.constant 0 : i32
      %sign3A_458 = arith.cmpi sgt, %jit3A_448, %sign3A_457 : i32
      %sign3A_459 = arith.extui %sign3A_458 : i1 to i32
      %sign3A_460 = arith.constant 0 : i32
      %sign3A_461 = arith.cmpi slt, %jit3A_448, %sign3A_460 : i32
      %sign3A_462 = arith.extui %sign3A_461 : i1 to i32
      %sign3A_463 = arith.subi %sign3A_459, %sign3A_462 : i32
      %ne3A_464 = arith.cmpi ne, %sign3A_456, %sign3A_463 : i32
      %rem3A_465 = arith.remsi %add3A_447, %jit3A_448 : i32
      %ne3A_466 = arith.constant 0 : i32
      %ne3A_467 = arith.cmpi ne, %rem3A_465, %ne3A_466 : i32
      %and3A_468 = arith.andi %ne3A_464, %ne3A_467 : i1
      %sub3A_469 = arith.constant 1 : i32
      %sub3A_470 = arith.subi %div3A_449, %sub3A_469 : i32
      %select_n3A_471 = arith.select %and3A_468, %sub3A_470, %div3A_449 : i32
      %mul3A_472 = arith.constant 8 : i32
      %mul3A_473 = arith.muli %select_n3A_471, %mul3A_472 : i32
      %sub3A_474 = arith.subi %add3A_447, %mul3A_473 : i32
      %mul3A_475 = arith.constant 16384 : i32
      %mul3A_476 = arith.muli %select_n3A_471, %mul3A_475 : i32
      %add3A_477 = arith.addi %mul3A_476, %mul3A_2 : i32
      %mul3A_478 = arith.constant 64 : i32
      %mul3A_479 = arith.muli %sub3A_474, %mul3A_478 : i32
      %add3A_480 = arith.addi %add3A_477, %mul3A_479 : i32
      %dma_start3A_481 = arith.constant 0 : i32
      %dma_start3A_482 = tpu.memref_slice %arg4[%add3A_480, %dma_start3A_481] : memref<819200x128xf32, #tpu.memory_space<hbm>> -> memref<64x128xf32, #tpu.memory_space<hbm>>
      %dma_start3A_483 = arith.constant 0 : i32
      %dma_start3A_484 = tpu.memref_slice %arg4[%add3A_480, %dma_start3A_483] : memref<819200x128xf32, #tpu.memory_space<hbm>> -> memref<64x128xf32, #tpu.memory_space<hbm>>
      tpu.enqueue_dma source(%arg10 : memref<64x128xf32, #tpu.memory_space<vmem>>) target(%dma_start3A_484 : memref<64x128xf32, #tpu.memory_space<hbm>>) target_semaphore(%arg30 : memref<!tpu.dma_semaphore, #tpu.memory_space<semaphore_mem>>)
      %dma_wait3A_485 = arith.constant 0 : i32
      %dma_wait3A_486 = arith.constant 0 : i32
      %dma_wait3A_487 = tpu.memref_slice %arg6[%dma_wait3A_485, %dma_wait3A_486] : memref<1000x128xf32, #tpu.memory_space<vmem_shared>> -> memref<64x128xf32, #tpu.memory_space<vmem_shared>>
      %dma_wait3A_488 = arith.constant 0 : i32
      %dma_wait3A_489 = arith.constant 0 : i32
      %dma_wait3A_490 = tpu.memref_slice %arg6[%dma_wait3A_488, %dma_wait3A_489] : memref<1000x128xf32, #tpu.memory_space<vmem_shared>> -> memref<64x128xf32, #tpu.memory_space<vmem_shared>>
      tpu.wait_dma2 semaphore(%arg21 : memref<!tpu.dma_semaphore, #tpu.memory_space<semaphore_mem>>) src(%dma_wait3A_490 : memref<64x128xf32, #tpu.memory_space<vmem_shared>>) dst(%arg11 : memref<64x128xf32, #tpu.memory_space<vmem>>)
      %add3A_491 = arith.constant 4 : i32
      %add3A_492 = arith.addi %mul3A_312, %add3A_491 : i32
      %jit3A_493 = arith.constant 8 : i32
      %div3A_494 = arith.divsi %add3A_492, %jit3A_493 : i32
      %sign3A_495 = arith.constant 0 : i32
      %sign3A_496 = arith.cmpi sgt, %add3A_492, %sign3A_495 : i32
      %sign3A_497 = arith.extui %sign3A_496 : i1 to i32
      %sign3A_498 = arith.constant 0 : i32
      %sign3A_499 = arith.cmpi slt, %add3A_492, %sign3A_498 : i32
      %sign3A_500 = arith.extui %sign3A_499 : i1 to i32
      %sign3A_501 = arith.subi %sign3A_497, %sign3A_500 : i32
      %sign3A_502 = arith.constant 0 : i32
      %sign3A_503 = arith.cmpi sgt, %jit3A_493, %sign3A_502 : i32
      %sign3A_504 = arith.extui %sign3A_503 : i1 to i32
      %sign3A_505 = arith.constant 0 : i32
      %sign3A_506 = arith.cmpi slt, %jit3A_493, %sign3A_505 : i32
      %sign3A_507 = arith.extui %sign3A_506 : i1 to i32
      %sign3A_508 = arith.subi %sign3A_504, %sign3A_507 : i32
      %ne3A_509 = arith.cmpi ne, %sign3A_501, %sign3A_508 : i32
      %rem3A_510 = arith.remsi %add3A_492, %jit3A_493 : i32
      %ne3A_511 = arith.constant 0 : i32
      %ne3A_512 = arith.cmpi ne, %rem3A_510, %ne3A_511 : i32
      %and3A_513 = arith.andi %ne3A_509, %ne3A_512 : i1
      %sub3A_514 = arith.constant 1 : i32
      %sub3A_515 = arith.subi %div3A_494, %sub3A_514 : i32
      %select_n3A_516 = arith.select %and3A_513, %sub3A_515, %div3A_494 : i32
      %mul3A_517 = arith.constant 8 : i32
      %mul3A_518 = arith.muli %select_n3A_516, %mul3A_517 : i32
      %sub3A_519 = arith.subi %add3A_492, %mul3A_518 : i32
      %mul3A_520 = arith.constant 16384 : i32
      %mul3A_521 = arith.muli %select_n3A_516, %mul3A_520 : i32
      %add3A_522 = arith.addi %mul3A_521, %mul3A_2 : i32
      %mul3A_523 = arith.constant 64 : i32
      %mul3A_524 = arith.muli %sub3A_519, %mul3A_523 : i32
      %add3A_525 = arith.addi %add3A_522, %mul3A_524 : i32
      %dma_start3A_526 = arith.constant 0 : i32
      %dma_start3A_527 = tpu.memref_slice %arg4[%add3A_525, %dma_start3A_526] : memref<819200x128xf32, #tpu.memory_space<hbm>> -> memref<64x128xf32, #tpu.memory_space<hbm>>
      %dma_start3A_528 = arith.constant 0 : i32
      %dma_start3A_529 = tpu.memref_slice %arg4[%add3A_525, %dma_start3A_528] : memref<819200x128xf32, #tpu.memory_space<hbm>> -> memref<64x128xf32, #tpu.memory_space<hbm>>
      tpu.enqueue_dma source(%arg11 : memref<64x128xf32, #tpu.memory_space<vmem>>) target(%dma_start3A_529 : memref<64x128xf32, #tpu.memory_space<hbm>>) target_semaphore(%arg31 : memref<!tpu.dma_semaphore, #tpu.memory_space<semaphore_mem>>)
      %dma_wait3A_530 = arith.constant 0 : i32
      %dma_wait3A_531 = arith.constant 0 : i32
      %dma_wait3A_532 = tpu.memref_slice %arg6[%dma_wait3A_530, %dma_wait3A_531] : memref<1000x128xf32, #tpu.memory_space<vmem_shared>> -> memref<64x128xf32, #tpu.memory_space<vmem_shared>>
      %dma_wait3A_533 = arith.constant 0 : i32
      %dma_wait3A_534 = arith.constant 0 : i32
      %dma_wait3A_535 = tpu.memref_slice %arg6[%dma_wait3A_533, %dma_wait3A_534] : memref<1000x128xf32, #tpu.memory_space<vmem_shared>> -> memref<64x128xf32, #tpu.memory_space<vmem_shared>>
      tpu.wait_dma2 semaphore(%arg22 : memref<!tpu.dma_semaphore, #tpu.memory_space<semaphore_mem>>) src(%dma_wait3A_535 : memref<64x128xf32, #tpu.memory_space<vmem_shared>>) dst(%arg12 : memref<64x128xf32, #tpu.memory_space<vmem>>)
      %add3A_536 = arith.constant 5 : i32
      %add3A_537 = arith.addi %mul3A_312, %add3A_536 : i32
      %jit3A_538 = arith.constant 8 : i32
      %div3A_539 = arith.divsi %add3A_537, %jit3A_538 : i32
      %sign3A_540 = arith.constant 0 : i32
      %sign3A_541 = arith.cmpi sgt, %add3A_537, %sign3A_540 : i32
      %sign3A_542 = arith.extui %sign3A_541 : i1 to i32
      %sign3A_543 = arith.constant 0 : i32
      %sign3A_544 = arith.cmpi slt, %add3A_537, %sign3A_543 : i32
      %sign3A_545 = arith.extui %sign3A_544 : i1 to i32
      %sign3A_546 = arith.subi %sign3A_542, %sign3A_545 : i32
      %sign3A_547 = arith.constant 0 : i32
      %sign3A_548 = arith.cmpi sgt, %jit3A_538, %sign3A_547 : i32
      %sign3A_549 = arith.extui %sign3A_548 : i1 to i32
      %sign3A_550 = arith.constant 0 : i32
      %sign3A_551 = arith.cmpi slt, %jit3A_538, %sign3A_550 : i32
      %sign3A_552 = arith.extui %sign3A_551 : i1 to i32
      %sign3A_553 = arith.subi %sign3A_549, %sign3A_552 : i32
      %ne3A_554 = arith.cmpi ne, %sign3A_546, %sign3A_553 : i32
      %rem3A_555 = arith.remsi %add3A_537, %jit3A_538 : i32
      %ne3A_556 = arith.constant 0 : i32
      %ne3A_557 = arith.cmpi ne, %rem3A_555, %ne3A_556 : i32
      %and3A_558 = arith.andi %ne3A_554, %ne3A_557 : i1
      %sub3A_559 = arith.constant 1 : i32
      %sub3A_560 = arith.subi %div3A_539, %sub3A_559 : i32
      %select_n3A_561 = arith.select %and3A_558, %sub3A_560, %div3A_539 : i32
      %mul3A_562 = arith.constant 8 : i32
      %mul3A_563 = arith.muli %select_n3A_561, %mul3A_562 : i32
      %sub3A_564 = arith.subi %add3A_537, %mul3A_563 : i32
      %mul3A_565 = arith.constant 16384 : i32
      %mul3A_566 = arith.muli %select_n3A_561, %mul3A_565 : i32
      %add3A_567 = arith.addi %mul3A_566, %mul3A_2 : i32
      %mul3A_568 = arith.constant 64 : i32
      %mul3A_569 = arith.muli %sub3A_564, %mul3A_568 : i32
      %add3A_570 = arith.addi %add3A_567, %mul3A_569 : i32
      %dma_start3A_571 = arith.constant 0 : i32
      %dma_start3A_572 = tpu.memref_slice %arg4[%add3A_570, %dma_start3A_571] : memref<819200x128xf32, #tpu.memory_space<hbm>> -> memref<64x128xf32, #tpu.memory_space<hbm>>
      %dma_start3A_573 = arith.constant 0 : i32
      %dma_start3A_574 = tpu.memref_slice %arg4[%add3A_570, %dma_start3A_573] : memref<819200x128xf32, #tpu.memory_space<hbm>> -> memref<64x128xf32, #tpu.memory_space<hbm>>
      tpu.enqueue_dma source(%arg12 : memref<64x128xf32, #tpu.memory_space<vmem>>) target(%dma_start3A_574 : memref<64x128xf32, #tpu.memory_space<hbm>>) target_semaphore(%arg32 : memref<!tpu.dma_semaphore, #tpu.memory_space<semaphore_mem>>)
      %dma_wait3A_575 = arith.constant 0 : i32
      %dma_wait3A_576 = arith.constant 0 : i32
      %dma_wait3A_577 = tpu.memref_slice %arg6[%dma_wait3A_575, %dma_wait3A_576] : memref<1000x128xf32, #tpu.memory_space<vmem_shared>> -> memref<64x128xf32, #tpu.memory_space<vmem_shared>>
      %dma_wait3A_578 = arith.constant 0 : i32
      %dma_wait3A_579 = arith.constant 0 : i32
      %dma_wait3A_580 = tpu.memref_slice %arg6[%dma_wait3A_578, %dma_wait3A_579] : memref<1000x128xf32, #tpu.memory_space<vmem_shared>> -> memref<64x128xf32, #tpu.memory_space<vmem_shared>>
      tpu.wait_dma2 semaphore(%arg23 : memref<!tpu.dma_semaphore, #tpu.memory_space<semaphore_mem>>) src(%dma_wait3A_580 : memref<64x128xf32, #tpu.memory_space<vmem_shared>>) dst(%arg13 : memref<64x128xf32, #tpu.memory_space<vmem>>)
      %add3A_581 = arith.constant 6 : i32
      %add3A_582 = arith.addi %mul3A_312, %add3A_581 : i32
      %jit3A_583 = arith.constant 8 : i32
      %div3A_584 = arith.divsi %add3A_582, %jit3A_583 : i32
      %sign3A_585 = arith.constant 0 : i32
      %sign3A_586 = arith.cmpi sgt, %add3A_582, %sign3A_585 : i32
      %sign3A_587 = arith.extui %sign3A_586 : i1 to i32
      %sign3A_588 = arith.constant 0 : i32
      %sign3A_589 = arith.cmpi slt, %add3A_582, %sign3A_588 : i32
      %sign3A_590 = arith.extui %sign3A_589 : i1 to i32
      %sign3A_591 = arith.subi %sign3A_587, %sign3A_590 : i32
      %sign3A_592 = arith.constant 0 : i32
      %sign3A_593 = arith.cmpi sgt, %jit3A_583, %sign3A_592 : i32
      %sign3A_594 = arith.extui %sign3A_593 : i1 to i32
      %sign3A_595 = arith.constant 0 : i32
      %sign3A_596 = arith.cmpi slt, %jit3A_583, %sign3A_595 : i32
      %sign3A_597 = arith.extui %sign3A_596 : i1 to i32
      %sign3A_598 = arith.subi %sign3A_594, %sign3A_597 : i32
      %ne3A_599 = arith.cmpi ne, %sign3A_591, %sign3A_598 : i32
      %rem3A_600 = arith.remsi %add3A_582, %jit3A_583 : i32
      %ne3A_601 = arith.constant 0 : i32
      %ne3A_602 = arith.cmpi ne, %rem3A_600, %ne3A_601 : i32
      %and3A_603 = arith.andi %ne3A_599, %ne3A_602 : i1
      %sub3A_604 = arith.constant 1 : i32
      %sub3A_605 = arith.subi %div3A_584, %sub3A_604 : i32
      %select_n3A_606 = arith.select %and3A_603, %sub3A_605, %div3A_584 : i32
      %mul3A_607 = arith.constant 8 : i32
      %mul3A_608 = arith.muli %select_n3A_606, %mul3A_607 : i32
      %sub3A_609 = arith.subi %add3A_582, %mul3A_608 : i32
      %mul3A_610 = arith.constant 16384 : i32
      %mul3A_611 = arith.muli %select_n3A_606, %mul3A_610 : i32
      %add3A_612 = arith.addi %mul3A_611, %mul3A_2 : i32
      %mul3A_613 = arith.constant 64 : i32
      %mul3A_614 = arith.muli %sub3A_609, %mul3A_613 : i32
      %add3A_615 = arith.addi %add3A_612, %mul3A_614 : i32
      %dma_start3A_616 = arith.constant 0 : i32
      %dma_start3A_617 = tpu.memref_slice %arg4[%add3A_615, %dma_start3A_616] : memref<819200x128xf32, #tpu.memory_space<hbm>> -> memref<64x128xf32, #tpu.memory_space<hbm>>
      %dma_start3A_618 = arith.constant 0 : i32
      %dma_start3A_619 = tpu.memref_slice %arg4[%add3A_615, %dma_start3A_618] : memref<819200x128xf32, #tpu.memory_space<hbm>> -> memref<64x128xf32, #tpu.memory_space<hbm>>
      tpu.enqueue_dma source(%arg13 : memref<64x128xf32, #tpu.memory_space<vmem>>) target(%dma_start3A_619 : memref<64x128xf32, #tpu.memory_space<hbm>>) target_semaphore(%arg33 : memref<!tpu.dma_semaphore, #tpu.memory_space<semaphore_mem>>)
      %dma_wait3A_620 = arith.constant 0 : i32
      %dma_wait3A_621 = arith.constant 0 : i32
      %dma_wait3A_622 = tpu.memref_slice %arg6[%dma_wait3A_620, %dma_wait3A_621] : memref<1000x128xf32, #tpu.memory_space<vmem_shared>> -> memref<64x128xf32, #tpu.memory_space<vmem_shared>>
      %dma_wait3A_623 = arith.constant 0 : i32
      %dma_wait3A_624 = arith.constant 0 : i32
      %dma_wait3A_625 = tpu.memref_slice %arg6[%dma_wait3A_623, %dma_wait3A_624] : memref<1000x128xf32, #tpu.memory_space<vmem_shared>> -> memref<64x128xf32, #tpu.memory_space<vmem_shared>>
      tpu.wait_dma2 semaphore(%arg24 : memref<!tpu.dma_semaphore, #tpu.memory_space<semaphore_mem>>) src(%dma_wait3A_625 : memref<64x128xf32, #tpu.memory_space<vmem_shared>>) dst(%arg14 : memref<64x128xf32, #tpu.memory_space<vmem>>)
      %add3A_626 = arith.constant 7 : i32
      %add3A_627 = arith.addi %mul3A_312, %add3A_626 : i32
      %jit3A_628 = arith.constant 8 : i32
      %div3A_629 = arith.divsi %add3A_627, %jit3A_628 : i32
      %sign3A_630 = arith.constant 0 : i32
      %sign3A_631 = arith.cmpi sgt, %add3A_627, %sign3A_630 : i32
      %sign3A_632 = arith.extui %sign3A_631 : i1 to i32
      %sign3A_633 = arith.constant 0 : i32
      %sign3A_634 = arith.cmpi slt, %add3A_627, %sign3A_633 : i32
      %sign3A_635 = arith.extui %sign3A_634 : i1 to i32
      %sign3A_636 = arith.subi %sign3A_632, %sign3A_635 : i32
      %sign3A_637 = arith.constant 0 : i32
      %sign3A_638 = arith.cmpi sgt, %jit3A_628, %sign3A_637 : i32
      %sign3A_639 = arith.extui %sign3A_638 : i1 to i32
      %sign3A_640 = arith.constant 0 : i32
      %sign3A_641 = arith.cmpi slt, %jit3A_628, %sign3A_640 : i32
      %sign3A_642 = arith.extui %sign3A_641 : i1 to i32
      %sign3A_643 = arith.subi %sign3A_639, %sign3A_642 : i32
      %ne3A_644 = arith.cmpi ne, %sign3A_636, %sign3A_643 : i32
      %rem3A_645 = arith.remsi %add3A_627, %jit3A_628 : i32
      %ne3A_646 = arith.constant 0 : i32
      %ne3A_647 = arith.cmpi ne, %rem3A_645, %ne3A_646 : i32
      %and3A_648 = arith.andi %ne3A_644, %ne3A_647 : i1
      %sub3A_649 = arith.constant 1 : i32
      %sub3A_650 = arith.subi %div3A_629, %sub3A_649 : i32
      %select_n3A_651 = arith.select %and3A_648, %sub3A_650, %div3A_629 : i32
      %mul3A_652 = arith.constant 8 : i32
      %mul3A_653 = arith.muli %select_n3A_651, %mul3A_652 : i32
      %sub3A_654 = arith.subi %add3A_627, %mul3A_653 : i32
      %mul3A_655 = arith.constant 16384 : i32
      %mul3A_656 = arith.muli %select_n3A_651, %mul3A_655 : i32
      %add3A_657 = arith.addi %mul3A_656, %mul3A_2 : i32
      %mul3A_658 = arith.constant 64 : i32
      %mul3A_659 = arith.muli %sub3A_654, %mul3A_658 : i32
      %add3A_660 = arith.addi %add3A_657, %mul3A_659 : i32
      %dma_start3A_661 = arith.constant 0 : i32
      %dma_start3A_662 = tpu.memref_slice %arg4[%add3A_660, %dma_start3A_661] : memref<819200x128xf32, #tpu.memory_space<hbm>> -> memref<64x128xf32, #tpu.memory_space<hbm>>
      %dma_start3A_663 = arith.constant 0 : i32
      %dma_start3A_664 = tpu.memref_slice %arg4[%add3A_660, %dma_start3A_663] : memref<819200x128xf32, #tpu.memory_space<hbm>> -> memref<64x128xf32, #tpu.memory_space<hbm>>
      tpu.enqueue_dma source(%arg14 : memref<64x128xf32, #tpu.memory_space<vmem>>) target(%dma_start3A_664 : memref<64x128xf32, #tpu.memory_space<hbm>>) target_semaphore(%arg34 : memref<!tpu.dma_semaphore, #tpu.memory_space<semaphore_mem>>)
      %dma_wait3A_665 = arith.constant 0 : i32
      %dma_wait3A_666 = arith.constant 0 : i32
      %dma_wait3A_667 = tpu.memref_slice %arg6[%dma_wait3A_665, %dma_wait3A_666] : memref<1000x128xf32, #tpu.memory_space<vmem_shared>> -> memref<64x128xf32, #tpu.memory_space<vmem_shared>>
      %dma_wait3A_668 = arith.constant 0 : i32
      %dma_wait3A_669 = arith.constant 0 : i32
      %dma_wait3A_670 = tpu.memref_slice %arg6[%dma_wait3A_668, %dma_wait3A_669] : memref<1000x128xf32, #tpu.memory_space<vmem_shared>> -> memref<64x128xf32, #tpu.memory_space<vmem_shared>>
      tpu.wait_dma2 semaphore(%arg25 : memref<!tpu.dma_semaphore, #tpu.memory_space<semaphore_mem>>) src(%dma_wait3A_670 : memref<64x128xf32, #tpu.memory_space<vmem_shared>>) dst(%arg15 : memref<64x128xf32, #tpu.memory_space<vmem>>)
      %add3A_671 = arith.constant 8 : i32
      %add3A_672 = arith.addi %mul3A_312, %add3A_671 : i32
      %jit3A_673 = arith.constant 8 : i32
      %div3A_674 = arith.divsi %add3A_672, %jit3A_673 : i32
      %sign3A_675 = arith.constant 0 : i32
      %sign3A_676 = arith.cmpi sgt, %add3A_672, %sign3A_675 : i32
      %sign3A_677 = arith.extui %sign3A_676 : i1 to i32
      %sign3A_678 = arith.constant 0 : i32
      %sign3A_679 = arith.cmpi slt, %add3A_672, %sign3A_678 : i32
      %sign3A_680 = arith.extui %sign3A_679 : i1 to i32
      %sign3A_681 = arith.subi %sign3A_677, %sign3A_680 : i32
      %sign3A_682 = arith.constant 0 : i32
      %sign3A_683 = arith.cmpi sgt, %jit3A_673, %sign3A_682 : i32
      %sign3A_684 = arith.extui %sign3A_683 : i1 to i32
      %sign3A_685 = arith.constant 0 : i32
      %sign3A_686 = arith.cmpi slt, %jit3A_673, %sign3A_685 : i32
      %sign3A_687 = arith.extui %sign3A_686 : i1 to i32
      %sign3A_688 = arith.subi %sign3A_684, %sign3A_687 : i32
      %ne3A_689 = arith.cmpi ne, %sign3A_681, %sign3A_688 : i32
      %rem3A_690 = arith.remsi %add3A_672, %jit3A_673 : i32
      %ne3A_691 = arith.constant 0 : i32
      %ne3A_692 = arith.cmpi ne, %rem3A_690, %ne3A_691 : i32
      %and3A_693 = arith.andi %ne3A_689, %ne3A_692 : i1
      %sub3A_694 = arith.constant 1 : i32
      %sub3A_695 = arith.subi %div3A_674, %sub3A_694 : i32
      %select_n3A_696 = arith.select %and3A_693, %sub3A_695, %div3A_674 : i32
      %mul3A_697 = arith.constant 8 : i32
      %mul3A_698 = arith.muli %select_n3A_696, %mul3A_697 : i32
      %sub3A_699 = arith.subi %add3A_672, %mul3A_698 : i32
      %mul3A_700 = arith.constant 16384 : i32
      %mul3A_701 = arith.muli %select_n3A_696, %mul3A_700 : i32
      %add3A_702 = arith.addi %mul3A_701, %mul3A_2 : i32
      %mul3A_703 = arith.constant 64 : i32
      %mul3A_704 = arith.muli %sub3A_699, %mul3A_703 : i32
      %add3A_705 = arith.addi %add3A_702, %mul3A_704 : i32
      %dma_start3A_706 = arith.constant 0 : i32
      %dma_start3A_707 = tpu.memref_slice %arg4[%add3A_705, %dma_start3A_706] : memref<819200x128xf32, #tpu.memory_space<hbm>> -> memref<64x128xf32, #tpu.memory_space<hbm>>
      %dma_start3A_708 = arith.constant 0 : i32
      %dma_start3A_709 = tpu.memref_slice %arg4[%add3A_705, %dma_start3A_708] : memref<819200x128xf32, #tpu.memory_space<hbm>> -> memref<64x128xf32, #tpu.memory_space<hbm>>
      tpu.enqueue_dma source(%arg15 : memref<64x128xf32, #tpu.memory_space<vmem>>) target(%dma_start3A_709 : memref<64x128xf32, #tpu.memory_space<hbm>>) target_semaphore(%arg35 : memref<!tpu.dma_semaphore, #tpu.memory_space<semaphore_mem>>)
      %dma_wait3A_710 = arith.constant 0 : i32
      %dma_wait3A_711 = arith.constant 0 : i32
      %dma_wait3A_712 = tpu.memref_slice %arg6[%dma_wait3A_710, %dma_wait3A_711] : memref<1000x128xf32, #tpu.memory_space<vmem_shared>> -> memref<64x128xf32, #tpu.memory_space<vmem_shared>>
      %dma_wait3A_713 = arith.constant 0 : i32
      %dma_wait3A_714 = arith.constant 0 : i32
      %dma_wait3A_715 = tpu.memref_slice %arg6[%dma_wait3A_713, %dma_wait3A_714] : memref<1000x128xf32, #tpu.memory_space<vmem_shared>> -> memref<64x128xf32, #tpu.memory_space<vmem_shared>>
      tpu.wait_dma2 semaphore(%arg26 : memref<!tpu.dma_semaphore, #tpu.memory_space<semaphore_mem>>) src(%dma_wait3A_715 : memref<64x128xf32, #tpu.memory_space<vmem_shared>>) dst(%arg16 : memref<64x128xf32, #tpu.memory_space<vmem>>)
      %add3A_716 = arith.constant 9 : i32
      %add3A_717 = arith.addi %mul3A_312, %add3A_716 : i32
      %jit3A_718 = arith.constant 8 : i32
      %div3A_719 = arith.divsi %add3A_717, %jit3A_718 : i32
      %sign3A_720 = arith.constant 0 : i32
      %sign3A_721 = arith.cmpi sgt, %add3A_717, %sign3A_720 : i32
      %sign3A_722 = arith.extui %sign3A_721 : i1 to i32
      %sign3A_723 = arith.constant 0 : i32
      %sign3A_724 = arith.cmpi slt, %add3A_717, %sign3A_723 : i32
      %sign3A_725 = arith.extui %sign3A_724 : i1 to i32
      %sign3A_726 = arith.subi %sign3A_722, %sign3A_725 : i32
      %sign3A_727 = arith.constant 0 : i32
      %sign3A_728 = arith.cmpi sgt, %jit3A_718, %sign3A_727 : i32
      %sign3A_729 = arith.extui %sign3A_728 : i1 to i32
      %sign3A_730 = arith.constant 0 : i32
      %sign3A_731 = arith.cmpi slt, %jit3A_718, %sign3A_730 : i32
      %sign3A_732 = arith.extui %sign3A_731 : i1 to i32
      %sign3A_733 = arith.subi %sign3A_729, %sign3A_732 : i32
      %ne3A_734 = arith.cmpi ne, %sign3A_726, %sign3A_733 : i32
      %rem3A_735 = arith.remsi %add3A_717, %jit3A_718 : i32
      %ne3A_736 = arith.constant 0 : i32
      %ne3A_737 = arith.cmpi ne, %rem3A_735, %ne3A_736 : i32
      %and3A_738 = arith.andi %ne3A_734, %ne3A_737 : i1
      %sub3A_739 = arith.constant 1 : i32
      %sub3A_740 = arith.subi %div3A_719, %sub3A_739 : i32
      %select_n3A_741 = arith.select %and3A_738, %sub3A_740, %div3A_719 : i32
      %mul3A_742 = arith.constant 8 : i32
      %mul3A_743 = arith.muli %select_n3A_741, %mul3A_742 : i32
      %sub3A_744 = arith.subi %add3A_717, %mul3A_743 : i32
      %mul3A_745 = arith.constant 16384 : i32
      %mul3A_746 = arith.muli %select_n3A_741, %mul3A_745 : i32
      %add3A_747 = arith.addi %mul3A_746, %mul3A_2 : i32
      %mul3A_748 = arith.constant 64 : i32
      %mul3A_749 = arith.muli %sub3A_744, %mul3A_748 : i32
      %add3A_750 = arith.addi %add3A_747, %mul3A_749 : i32
      %dma_start3A_751 = arith.constant 0 : i32
      %dma_start3A_752 = tpu.memref_slice %arg4[%add3A_750, %dma_start3A_751] : memref<819200x128xf32, #tpu.memory_space<hbm>> -> memref<64x128xf32, #tpu.memory_space<hbm>>
      %dma_start3A_753 = arith.constant 0 : i32
      %dma_start3A_754 = tpu.memref_slice %arg4[%add3A_750, %dma_start3A_753] : memref<819200x128xf32, #tpu.memory_space<hbm>> -> memref<64x128xf32, #tpu.memory_space<hbm>>
      tpu.enqueue_dma source(%arg16 : memref<64x128xf32, #tpu.memory_space<vmem>>) target(%dma_start3A_754 : memref<64x128xf32, #tpu.memory_space<hbm>>) target_semaphore(%arg36 : memref<!tpu.dma_semaphore, #tpu.memory_space<semaphore_mem>>)
      %add3A_755 = arith.constant 0 : i32
      %add3A_756 = arith.addi %mul3A_312, %add3A_755 : i32
      %jit3A_757 = arith.constant 8 : i32
      %div3A_758 = arith.divsi %add3A_756, %jit3A_757 : i32
      %sign3A_759 = arith.constant 0 : i32
      %sign3A_760 = arith.cmpi sgt, %add3A_756, %sign3A_759 : i32
      %sign3A_761 = arith.extui %sign3A_760 : i1 to i32
      %sign3A_762 = arith.constant 0 : i32
      %sign3A_763 = arith.cmpi slt, %add3A_756, %sign3A_762 : i32
      %sign3A_764 = arith.extui %sign3A_763 : i1 to i32
      %sign3A_765 = arith.subi %sign3A_761, %sign3A_764 : i32
      %sign3A_766 = arith.constant 0 : i32
      %sign3A_767 = arith.cmpi sgt, %jit3A_757, %sign3A_766 : i32
      %sign3A_768 = arith.extui %sign3A_767 : i1 to i32
      %sign3A_769 = arith.constant 0 : i32
      %sign3A_770 = arith.cmpi slt, %jit3A_757, %sign3A_769 : i32
      %sign3A_771 = arith.extui %sign3A_770 : i1 to i32
      %sign3A_772 = arith.subi %sign3A_768, %sign3A_771 : i32
      %ne3A_773 = arith.cmpi ne, %sign3A_765, %sign3A_772 : i32
      %rem3A_774 = arith.remsi %add3A_756, %jit3A_757 : i32
      %ne3A_775 = arith.constant 0 : i32
      %ne3A_776 = arith.cmpi ne, %rem3A_774, %ne3A_775 : i32
      %and3A_777 = arith.andi %ne3A_773, %ne3A_776 : i1
      %sub3A_778 = arith.constant 1 : i32
      %sub3A_779 = arith.subi %div3A_758, %sub3A_778 : i32
      %select_n3A_780 = arith.select %and3A_777, %sub3A_779, %div3A_758 : i32
      %mul3A_781 = arith.constant 8 : i32
      %mul3A_782 = arith.muli %select_n3A_780, %mul3A_781 : i32
      %sub3A_783 = arith.subi %add3A_756, %mul3A_782 : i32
      %mul3A_784 = arith.constant 16384 : i32
      %mul3A_785 = arith.muli %select_n3A_780, %mul3A_784 : i32
      %add3A_786 = arith.addi %mul3A_785, %mul3A_2 : i32
      %mul3A_787 = arith.constant 64 : i32
      %mul3A_788 = arith.muli %sub3A_783, %mul3A_787 : i32
      %add3A_789 = arith.addi %add3A_786, %mul3A_788 : i32
      %dma_wait3A_790 = arith.constant 0 : i32
      %dma_wait3A_791 = tpu.memref_slice %arg4[%add3A_789, %dma_wait3A_790] : memref<819200x128xf32, #tpu.memory_space<hbm>> -> memref<64x128xf32, #tpu.memory_space<hbm>>
      %dma_wait3A_792 = arith.constant 0 : i32
      %dma_wait3A_793 = tpu.memref_slice %arg4[%add3A_789, %dma_wait3A_792] : memref<819200x128xf32, #tpu.memory_space<hbm>> -> memref<64x128xf32, #tpu.memory_space<hbm>>
      tpu.wait_dma2 semaphore(%arg27 : memref<!tpu.dma_semaphore, #tpu.memory_space<semaphore_mem>>) src(%arg7 : memref<64x128xf32, #tpu.memory_space<vmem>>) dst(%dma_wait3A_793 : memref<64x128xf32, #tpu.memory_space<hbm>>)
      %add3A_794 = arith.constant 10 : i32
      %add3A_795 = arith.addi %mul3A_312, %add3A_794 : i32
      %add3A_796 = arith.constant 0 : i32
      %add3A_797 = arith.addi %add3A_795, %add3A_796 : i32
      %jit3A_798 = arith.constant 8 : i32
      %div3A_799 = arith.divsi %add3A_797, %jit3A_798 : i32
      %sign3A_800 = arith.constant 0 : i32
      %sign3A_801 = arith.cmpi sgt, %add3A_797, %sign3A_800 : i32
      %sign3A_802 = arith.extui %sign3A_801 : i1 to i32
      %sign3A_803 = arith.constant 0 : i32
      %sign3A_804 = arith.cmpi slt, %add3A_797, %sign3A_803 : i32
      %sign3A_805 = arith.extui %sign3A_804 : i1 to i32
      %sign3A_806 = arith.subi %sign3A_802, %sign3A_805 : i32
      %sign3A_807 = arith.constant 0 : i32
      %sign3A_808 = arith.cmpi sgt, %jit3A_798, %sign3A_807 : i32
      %sign3A_809 = arith.extui %sign3A_808 : i1 to i32
      %sign3A_810 = arith.constant 0 : i32
      %sign3A_811 = arith.cmpi slt, %jit3A_798, %sign3A_810 : i32
      %sign3A_812 = arith.extui %sign3A_811 : i1 to i32
      %sign3A_813 = arith.subi %sign3A_809, %sign3A_812 : i32
      %ne3A_814 = arith.cmpi ne, %sign3A_806, %sign3A_813 : i32
      %rem3A_815 = arith.remsi %add3A_797, %jit3A_798 : i32
      %ne3A_816 = arith.constant 0 : i32
      %ne3A_817 = arith.cmpi ne, %rem3A_815, %ne3A_816 : i32
      %and3A_818 = arith.andi %ne3A_814, %ne3A_817 : i1
      %sub3A_819 = arith.constant 1 : i32
      %sub3A_820 = arith.subi %div3A_799, %sub3A_819 : i32
      %select_n3A_821 = arith.select %and3A_818, %sub3A_820, %div3A_799 : i32
      %mul3A_822 = arith.constant 8 : i32
      %mul3A_823 = arith.muli %select_n3A_821, %mul3A_822 : i32
      %sub3A_824 = arith.subi %add3A_797, %mul3A_823 : i32
      %mul3A_825 = arith.constant 64 : i32
      %mul3A_826 = arith.muli %sub3A_824, %mul3A_825 : i32
      %dma_start3A_827 = tpu.memref_slice %arg5[%select_n3A_821, %mul3A_826] : memref<50x512xi32, #tpu.memory_space<vmem>> -> memref<1x64xi32, #tpu.memory_space<vmem>>
      %dma_start3A_828 = tpu.memref_squeeze %dma_start3A_827 : memref<1x64xi32, #tpu.memory_space<vmem>> -> memref<64xi32, #tpu.memory_space<vmem>>
      %dma_start3A_829 = arith.constant 0 : i32
      %dma_start3A_830 = arith.constant 0 : i32
      %dma_start3A_831 = tpu.memref_slice %arg6[%dma_start3A_829, %dma_start3A_830] : memref<1000x128xf32, #tpu.memory_space<vmem_shared>> -> memref<1000x128xf32, #tpu.memory_space<vmem_shared>>
      tpu.enqueue_indirect_dma source(%dma_start3A_831 : memref<1000x128xf32, #tpu.memory_space<vmem_shared>>) target(%arg7 : memref<64x128xf32, #tpu.memory_space<vmem>>) offsets(%dma_start3A_828 : memref<64xi32, #tpu.memory_space<vmem>>) semaphore(%arg17 : memref<!tpu.dma_semaphore, #tpu.memory_space<semaphore_mem>>)
      %add3A_832 = arith.constant 1 : i32
      %add3A_833 = arith.addi %mul3A_312, %add3A_832 : i32
      %jit3A_834 = arith.constant 8 : i32
      %div3A_835 = arith.divsi %add3A_833, %jit3A_834 : i32
      %sign3A_836 = arith.constant 0 : i32
      %sign3A_837 = arith.cmpi sgt, %add3A_833, %sign3A_836 : i32
      %sign3A_838 = arith.extui %sign3A_837 : i1 to i32
      %sign3A_839 = arith.constant 0 : i32
      %sign3A_840 = arith.cmpi slt, %add3A_833, %sign3A_839 : i32
      %sign3A_841 = arith.extui %sign3A_840 : i1 to i32
      %sign3A_842 = arith.subi %sign3A_838, %sign3A_841 : i32
      %sign3A_843 = arith.constant 0 : i32
      %sign3A_844 = arith.cmpi sgt, %jit3A_834, %sign3A_843 : i32
      %sign3A_845 = arith.extui %sign3A_844 : i1 to i32
      %sign3A_846 = arith.constant 0 : i32
      %sign3A_847 = arith.cmpi slt, %jit3A_834, %sign3A_846 : i32
      %sign3A_848 = arith.extui %sign3A_847 : i1 to i32
      %sign3A_849 = arith.subi %sign3A_845, %sign3A_848 : i32
      %ne3A_850 = arith.cmpi ne, %sign3A_842, %sign3A_849 : i32
      %rem3A_851 = arith.remsi %add3A_833, %jit3A_834 : i32
      %ne3A_852 = arith.constant 0 : i32
      %ne3A_853 = arith.cmpi ne, %rem3A_851, %ne3A_852 : i32
      %and3A_854 = arith.andi %ne3A_850, %ne3A_853 : i1
      %sub3A_855 = arith.constant 1 : i32
      %sub3A_856 = arith.subi %div3A_835, %sub3A_855 : i32
      %select_n3A_857 = arith.select %and3A_854, %sub3A_856, %div3A_835 : i32
      %mul3A_858 = arith.constant 8 : i32
      %mul3A_859 = arith.muli %select_n3A_857, %mul3A_858 : i32
      %sub3A_860 = arith.subi %add3A_833, %mul3A_859 : i32
      %mul3A_861 = arith.constant 16384 : i32
      %mul3A_862 = arith.muli %select_n3A_857, %mul3A_861 : i32
      %add3A_863 = arith.addi %mul3A_862, %mul3A_2 : i32
      %mul3A_864 = arith.constant 64 : i32
      %mul3A_865 = arith.muli %sub3A_860, %mul3A_864 : i32
      %add3A_866 = arith.addi %add3A_863, %mul3A_865 : i32
      %dma_wait3A_867 = arith.constant 0 : i32
      %dma_wait3A_868 = tpu.memref_slice %arg4[%add3A_866, %dma_wait3A_867] : memref<819200x128xf32, #tpu.memory_space<hbm>> -> memref<64x128xf32, #tpu.memory_space<hbm>>
      %dma_wait3A_869 = arith.constant 0 : i32
      %dma_wait3A_870 = tpu.memref_slice %arg4[%add3A_866, %dma_wait3A_869] : memref<819200x128xf32, #tpu.memory_space<hbm>> -> memref<64x128xf32, #tpu.memory_space<hbm>>
      tpu.wait_dma2 semaphore(%arg28 : memref<!tpu.dma_semaphore, #tpu.memory_space<semaphore_mem>>) src(%arg8 : memref<64x128xf32, #tpu.memory_space<vmem>>) dst(%dma_wait3A_870 : memref<64x128xf32, #tpu.memory_space<hbm>>)
      %add3A_871 = arith.constant 10 : i32
      %add3A_872 = arith.addi %mul3A_312, %add3A_871 : i32
      %add3A_873 = arith.constant 1 : i32
      %add3A_874 = arith.addi %add3A_872, %add3A_873 : i32
      %jit3A_875 = arith.constant 8 : i32
      %div3A_876 = arith.divsi %add3A_874, %jit3A_875 : i32
      %sign3A_877 = arith.constant 0 : i32
      %sign3A_878 = arith.cmpi sgt, %add3A_874, %sign3A_877 : i32
      %sign3A_879 = arith.extui %sign3A_878 : i1 to i32
      %sign3A_880 = arith.constant 0 : i32
      %sign3A_881 = arith.cmpi slt, %add3A_874, %sign3A_880 : i32
      %sign3A_882 = arith.extui %sign3A_881 : i1 to i32
      %sign3A_883 = arith.subi %sign3A_879, %sign3A_882 : i32
      %sign3A_884 = arith.constant 0 : i32
      %sign3A_885 = arith.cmpi sgt, %jit3A_875, %sign3A_884 : i32
      %sign3A_886 = arith.extui %sign3A_885 : i1 to i32
      %sign3A_887 = arith.constant 0 : i32
      %sign3A_888 = arith.cmpi slt, %jit3A_875, %sign3A_887 : i32
      %sign3A_889 = arith.extui %sign3A_888 : i1 to i32
      %sign3A_890 = arith.subi %sign3A_886, %sign3A_889 : i32
      %ne3A_891 = arith.cmpi ne, %sign3A_883, %sign3A_890 : i32
      %rem3A_892 = arith.remsi %add3A_874, %jit3A_875 : i32
      %ne3A_893 = arith.constant 0 : i32
      %ne3A_894 = arith.cmpi ne, %rem3A_892, %ne3A_893 : i32
      %and3A_895 = arith.andi %ne3A_891, %ne3A_894 : i1
      %sub3A_896 = arith.constant 1 : i32
      %sub3A_897 = arith.subi %div3A_876, %sub3A_896 : i32
      %select_n3A_898 = arith.select %and3A_895, %sub3A_897, %div3A_876 : i32
      %mul3A_899 = arith.constant 8 : i32
      %mul3A_900 = arith.muli %select_n3A_898, %mul3A_899 : i32
      %sub3A_901 = arith.subi %add3A_874, %mul3A_900 : i32
      %mul3A_902 = arith.constant 64 : i32
      %mul3A_903 = arith.muli %sub3A_901, %mul3A_902 : i32
      %dma_start3A_904 = tpu.memref_slice %arg5[%select_n3A_898, %mul3A_903] : memref<50x512xi32, #tpu.memory_space<vmem>> -> memref<1x64xi32, #tpu.memory_space<vmem>>
      %dma_start3A_905 = tpu.memref_squeeze %dma_start3A_904 : memref<1x64xi32, #tpu.memory_space<vmem>> -> memref<64xi32, #tpu.memory_space<vmem>>
      %dma_start3A_906 = arith.constant 0 : i32
      %dma_start3A_907 = arith.constant 0 : i32
      %dma_start3A_908 = tpu.memref_slice %arg6[%dma_start3A_906, %dma_start3A_907] : memref<1000x128xf32, #tpu.memory_space<vmem_shared>> -> memref<1000x128xf32, #tpu.memory_space<vmem_shared>>
      tpu.enqueue_indirect_dma source(%dma_start3A_908 : memref<1000x128xf32, #tpu.memory_space<vmem_shared>>) target(%arg8 : memref<64x128xf32, #tpu.memory_space<vmem>>) offsets(%dma_start3A_905 : memref<64xi32, #tpu.memory_space<vmem>>) semaphore(%arg18 : memref<!tpu.dma_semaphore, #tpu.memory_space<semaphore_mem>>)
      %add3A_909 = arith.constant 2 : i32
      %add3A_910 = arith.addi %mul3A_312, %add3A_909 : i32
      %jit3A_911 = arith.constant 8 : i32
      %div3A_912 = arith.divsi %add3A_910, %jit3A_911 : i32
      %sign3A_913 = arith.constant 0 : i32
      %sign3A_914 = arith.cmpi sgt, %add3A_910, %sign3A_913 : i32
      %sign3A_915 = arith.extui %sign3A_914 : i1 to i32
      %sign3A_916 = arith.constant 0 : i32
      %sign3A_917 = arith.cmpi slt, %add3A_910, %sign3A_916 : i32
      %sign3A_918 = arith.extui %sign3A_917 : i1 to i32
      %sign3A_919 = arith.subi %sign3A_915, %sign3A_918 : i32
      %sign3A_920 = arith.constant 0 : i32
      %sign3A_921 = arith.cmpi sgt, %jit3A_911, %sign3A_920 : i32
      %sign3A_922 = arith.extui %sign3A_921 : i1 to i32
      %sign3A_923 = arith.constant 0 : i32
      %sign3A_924 = arith.cmpi slt, %jit3A_911, %sign3A_923 : i32
      %sign3A_925 = arith.extui %sign3A_924 : i1 to i32
      %sign3A_926 = arith.subi %sign3A_922, %sign3A_925 : i32
      %ne3A_927 = arith.cmpi ne, %sign3A_919, %sign3A_926 : i32
      %rem3A_928 = arith.remsi %add3A_910, %jit3A_911 : i32
      %ne3A_929 = arith.constant 0 : i32
      %ne3A_930 = arith.cmpi ne, %rem3A_928, %ne3A_929 : i32
      %and3A_931 = arith.andi %ne3A_927, %ne3A_930 : i1
      %sub3A_932 = arith.constant 1 : i32
      %sub3A_933 = arith.subi %div3A_912, %sub3A_932 : i32
      %select_n3A_934 = arith.select %and3A_931, %sub3A_933, %div3A_912 : i32
      %mul3A_935 = arith.constant 8 : i32
      %mul3A_936 = arith.muli %select_n3A_934, %mul3A_935 : i32
      %sub3A_937 = arith.subi %add3A_910, %mul3A_936 : i32
      %mul3A_938 = arith.constant 16384 : i32
      %mul3A_939 = arith.muli %select_n3A_934, %mul3A_938 : i32
      %add3A_940 = arith.addi %mul3A_939, %mul3A_2 : i32
      %mul3A_941 = arith.constant 64 : i32
      %mul3A_942 = arith.muli %sub3A_937, %mul3A_941 : i32
      %add3A_943 = arith.addi %add3A_940, %mul3A_942 : i32
      %dma_wait3A_944 = arith.constant 0 : i32
      %dma_wait3A_945 = tpu.memref_slice %arg4[%add3A_943, %dma_wait3A_944] : memref<819200x128xf32, #tpu.memory_space<hbm>> -> memref<64x128xf32, #tpu.memory_space<hbm>>
      %dma_wait3A_946 = arith.constant 0 : i32
      %dma_wait3A_947 = tpu.memref_slice %arg4[%add3A_943, %dma_wait3A_946] : memref<819200x128xf32, #tpu.memory_space<hbm>> -> memref<64x128xf32, #tpu.memory_space<hbm>>
      tpu.wait_dma2 semaphore(%arg29 : memref<!tpu.dma_semaphore, #tpu.memory_space<semaphore_mem>>) src(%arg9 : memref<64x128xf32, #tpu.memory_space<vmem>>) dst(%dma_wait3A_947 : memref<64x128xf32, #tpu.memory_space<hbm>>)
      %add3A_948 = arith.constant 10 : i32
      %add3A_949 = arith.addi %mul3A_312, %add3A_948 : i32
      %add3A_950 = arith.constant 2 : i32
      %add3A_951 = arith.addi %add3A_949, %add3A_950 : i32
      %jit3A_952 = arith.constant 8 : i32
      %div3A_953 = arith.divsi %add3A_951, %jit3A_952 : i32
      %sign3A_954 = arith.constant 0 : i32
      %sign3A_955 = arith.cmpi sgt, %add3A_951, %sign3A_954 : i32
      %sign3A_956 = arith.extui %sign3A_955 : i1 to i32
      %sign3A_957 = arith.constant 0 : i32
      %sign3A_958 = arith.cmpi slt, %add3A_951, %sign3A_957 : i32
      %sign3A_959 = arith.extui %sign3A_958 : i1 to i32
      %sign3A_960 = arith.subi %sign3A_956, %sign3A_959 : i32
      %sign3A_961 = arith.constant 0 : i32
      %sign3A_962 = arith.cmpi sgt, %jit3A_952, %sign3A_961 : i32
      %sign3A_963 = arith.extui %sign3A_962 : i1 to i32
      %sign3A_964 = arith.constant 0 : i32
      %sign3A_965 = arith.cmpi slt, %jit3A_952, %sign3A_964 : i32
      %sign3A_966 = arith.extui %sign3A_965 : i1 to i32
      %sign3A_967 = arith.subi %sign3A_963, %sign3A_966 : i32
      %ne3A_968 = arith.cmpi ne, %sign3A_960, %sign3A_967 : i32
      %rem3A_969 = arith.remsi %add3A_951, %jit3A_952 : i32
      %ne3A_970 = arith.constant 0 : i32
      %ne3A_971 = arith.cmpi ne, %rem3A_969, %ne3A_970 : i32
      %and3A_972 = arith.andi %ne3A_968, %ne3A_971 : i1
      %sub3A_973 = arith.constant 1 : i32
      %sub3A_974 = arith.subi %div3A_953, %sub3A_973 : i32
      %select_n3A_975 = arith.select %and3A_972, %sub3A_974, %div3A_953 : i32
      %mul3A_976 = arith.constant 8 : i32
      %mul3A_977 = arith.muli %select_n3A_975, %mul3A_976 : i32
      %sub3A_978 = arith.subi %add3A_951, %mul3A_977 : i32
      %mul3A_979 = arith.constant 64 : i32
      %mul3A_980 = arith.muli %sub3A_978, %mul3A_979 : i32
      %dma_start3A_981 = tpu.memref_slice %arg5[%select_n3A_975, %mul3A_980] : memref<50x512xi32, #tpu.memory_space<vmem>> -> memref<1x64xi32, #tpu.memory_space<vmem>>
      %dma_start3A_982 = tpu.memref_squeeze %dma_start3A_981 : memref<1x64xi32, #tpu.memory_space<vmem>> -> memref<64xi32, #tpu.memory_space<vmem>>
      %dma_start3A_983 = arith.constant 0 : i32
      %dma_start3A_984 = arith.constant 0 : i32
      %dma_start3A_985 = tpu.memref_slice %arg6[%dma_start3A_983, %dma_start3A_984] : memref<1000x128xf32, #tpu.memory_space<vmem_shared>> -> memref<1000x128xf32, #tpu.memory_space<vmem_shared>>
      tpu.enqueue_indirect_dma source(%dma_start3A_985 : memref<1000x128xf32, #tpu.memory_space<vmem_shared>>) target(%arg9 : memref<64x128xf32, #tpu.memory_space<vmem>>) offsets(%dma_start3A_982 : memref<64xi32, #tpu.memory_space<vmem>>) semaphore(%arg19 : memref<!tpu.dma_semaphore, #tpu.memory_space<semaphore_mem>>)
      %add3A_986 = arith.constant 3 : i32
      %add3A_987 = arith.addi %mul3A_312, %add3A_986 : i32
      %jit3A_988 = arith.constant 8 : i32
      %div3A_989 = arith.divsi %add3A_987, %jit3A_988 : i32
      %sign3A_990 = arith.constant 0 : i32
      %sign3A_991 = arith.cmpi sgt, %add3A_987, %sign3A_990 : i32
      %sign3A_992 = arith.extui %sign3A_991 : i1 to i32
      %sign3A_993 = arith.constant 0 : i32
      %sign3A_994 = arith.cmpi slt, %add3A_987, %sign3A_993 : i32
      %sign3A_995 = arith.extui %sign3A_994 : i1 to i32
      %sign3A_996 = arith.subi %sign3A_992, %sign3A_995 : i32
      %sign3A_997 = arith.constant 0 : i32
      %sign3A_998 = arith.cmpi sgt, %jit3A_988, %sign3A_997 : i32
      %sign3A_999 = arith.extui %sign3A_998 : i1 to i32
      %sign3A_1000 = arith.constant 0 : i32
      %sign3A_1001 = arith.cmpi slt, %jit3A_988, %sign3A_1000 : i32
      %sign3A_1002 = arith.extui %sign3A_1001 : i1 to i32
      %sign3A_1003 = arith.subi %sign3A_999, %sign3A_1002 : i32
      %ne3A_1004 = arith.cmpi ne, %sign3A_996, %sign3A_1003 : i32
      %rem3A_1005 = arith.remsi %add3A_987, %jit3A_988 : i32
      %ne3A_1006 = arith.constant 0 : i32
      %ne3A_1007 = arith.cmpi ne, %rem3A_1005, %ne3A_1006 : i32
      %and3A_1008 = arith.andi %ne3A_1004, %ne3A_1007 : i1
      %sub3A_1009 = arith.constant 1 : i32
      %sub3A_1010 = arith.subi %div3A_989, %sub3A_1009 : i32
      %select_n3A_1011 = arith.select %and3A_1008, %sub3A_1010, %div3A_989 : i32
      %mul3A_1012 = arith.constant 8 : i32
      %mul3A_1013 = arith.muli %select_n3A_1011, %mul3A_1012 : i32
      %sub3A_1014 = arith.subi %add3A_987, %mul3A_1013 : i32
      %mul3A_1015 = arith.constant 16384 : i32
      %mul3A_1016 = arith.muli %select_n3A_1011, %mul3A_1015 : i32
      %add3A_1017 = arith.addi %mul3A_1016, %mul3A_2 : i32
      %mul3A_1018 = arith.constant 64 : i32
      %mul3A_1019 = arith.muli %sub3A_1014, %mul3A_1018 : i32
      %add3A_1020 = arith.addi %add3A_1017, %mul3A_1019 : i32
      %dma_wait3A_1021 = arith.constant 0 : i32
      %dma_wait3A_1022 = tpu.memref_slice %arg4[%add3A_1020, %dma_wait3A_1021] : memref<819200x128xf32, #tpu.memory_space<hbm>> -> memref<64x128xf32, #tpu.memory_space<hbm>>
      %dma_wait3A_1023 = arith.constant 0 : i32
      %dma_wait3A_1024 = tpu.memref_slice %arg4[%add3A_1020, %dma_wait3A_1023] : memref<819200x128xf32, #tpu.memory_space<hbm>> -> memref<64x128xf32, #tpu.memory_space<hbm>>
      tpu.wait_dma2 semaphore(%arg30 : memref<!tpu.dma_semaphore, #tpu.memory_space<semaphore_mem>>) src(%arg10 : memref<64x128xf32, #tpu.memory_space<vmem>>) dst(%dma_wait3A_1024 : memref<64x128xf32, #tpu.memory_space<hbm>>)
      %add3A_1025 = arith.constant 10 : i32
      %add3A_1026 = arith.addi %mul3A_312, %add3A_1025 : i32
      %add3A_1027 = arith.constant 3 : i32
      %add3A_1028 = arith.addi %add3A_1026, %add3A_1027 : i32
      %jit3A_1029 = arith.constant 8 : i32
      %div3A_1030 = arith.divsi %add3A_1028, %jit3A_1029 : i32
      %sign3A_1031 = arith.constant 0 : i32
      %sign3A_1032 = arith.cmpi sgt, %add3A_1028, %sign3A_1031 : i32
      %sign3A_1033 = arith.extui %sign3A_1032 : i1 to i32
      %sign3A_1034 = arith.constant 0 : i32
      %sign3A_1035 = arith.cmpi slt, %add3A_1028, %sign3A_1034 : i32
      %sign3A_1036 = arith.extui %sign3A_1035 : i1 to i32
      %sign3A_1037 = arith.subi %sign3A_1033, %sign3A_1036 : i32
      %sign3A_1038 = arith.constant 0 : i32
      %sign3A_1039 = arith.cmpi sgt, %jit3A_1029, %sign3A_1038 : i32
      %sign3A_1040 = arith.extui %sign3A_1039 : i1 to i32
      %sign3A_1041 = arith.constant 0 : i32
      %sign3A_1042 = arith.cmpi slt, %jit3A_1029, %sign3A_1041 : i32
      %sign3A_1043 = arith.extui %sign3A_1042 : i1 to i32
      %sign3A_1044 = arith.subi %sign3A_1040, %sign3A_1043 : i32
      %ne3A_1045 = arith.cmpi ne, %sign3A_1037, %sign3A_1044 : i32
      %rem3A_1046 = arith.remsi %add3A_1028, %jit3A_1029 : i32
      %ne3A_1047 = arith.constant 0 : i32
      %ne3A_1048 = arith.cmpi ne, %rem3A_1046, %ne3A_1047 : i32
      %and3A_1049 = arith.andi %ne3A_1045, %ne3A_1048 : i1
      %sub3A_1050 = arith.constant 1 : i32
      %sub3A_1051 = arith.subi %div3A_1030, %sub3A_1050 : i32
      %select_n3A_1052 = arith.select %and3A_1049, %sub3A_1051, %div3A_1030 : i32
      %mul3A_1053 = arith.constant 8 : i32
      %mul3A_1054 = arith.muli %select_n3A_1052, %mul3A_1053 : i32
      %sub3A_1055 = arith.subi %add3A_1028, %mul3A_1054 : i32
      %mul3A_1056 = arith.constant 64 : i32
      %mul3A_1057 = arith.muli %sub3A_1055, %mul3A_1056 : i32
      %dma_start3A_1058 = tpu.memref_slice %arg5[%select_n3A_1052, %mul3A_1057] : memref<50x512xi32, #tpu.memory_space<vmem>> -> memref<1x64xi32, #tpu.memory_space<vmem>>
      %dma_start3A_1059 = tpu.memref_squeeze %dma_start3A_1058 : memref<1x64xi32, #tpu.memory_space<vmem>> -> memref<64xi32, #tpu.memory_space<vmem>>
      %dma_start3A_1060 = arith.constant 0 : i32
      %dma_start3A_1061 = arith.constant 0 : i32
      %dma_start3A_1062 = tpu.memref_slice %arg6[%dma_start3A_1060, %dma_start3A_1061] : memref<1000x128xf32, #tpu.memory_space<vmem_shared>> -> memref<1000x128xf32, #tpu.memory_space<vmem_shared>>
      tpu.enqueue_indirect_dma source(%dma_start3A_1062 : memref<1000x128xf32, #tpu.memory_space<vmem_shared>>) target(%arg10 : memref<64x128xf32, #tpu.memory_space<vmem>>) offsets(%dma_start3A_1059 : memref<64xi32, #tpu.memory_space<vmem>>) semaphore(%arg20 : memref<!tpu.dma_semaphore, #tpu.memory_space<semaphore_mem>>)
      %add3A_1063 = arith.constant 4 : i32
      %add3A_1064 = arith.addi %mul3A_312, %add3A_1063 : i32
      %jit3A_1065 = arith.constant 8 : i32
      %div3A_1066 = arith.divsi %add3A_1064, %jit3A_1065 : i32
      %sign3A_1067 = arith.constant 0 : i32
      %sign3A_1068 = arith.cmpi sgt, %add3A_1064, %sign3A_1067 : i32
      %sign3A_1069 = arith.extui %sign3A_1068 : i1 to i32
      %sign3A_1070 = arith.constant 0 : i32
      %sign3A_1071 = arith.cmpi slt, %add3A_1064, %sign3A_1070 : i32
      %sign3A_1072 = arith.extui %sign3A_1071 : i1 to i32
      %sign3A_1073 = arith.subi %sign3A_1069, %sign3A_1072 : i32
      %sign3A_1074 = arith.constant 0 : i32
      %sign3A_1075 = arith.cmpi sgt, %jit3A_1065, %sign3A_1074 : i32
      %sign3A_1076 = arith.extui %sign3A_1075 : i1 to i32
      %sign3A_1077 = arith.constant 0 : i32
      %sign3A_1078 = arith.cmpi slt, %jit3A_1065, %sign3A_1077 : i32
      %sign3A_1079 = arith.extui %sign3A_1078 : i1 to i32
      %sign3A_1080 = arith.subi %sign3A_1076, %sign3A_1079 : i32
      %ne3A_1081 = arith.cmpi ne, %sign3A_1073, %sign3A_1080 : i32
      %rem3A_1082 = arith.remsi %add3A_1064, %jit3A_1065 : i32
      %ne3A_1083 = arith.constant 0 : i32
      %ne3A_1084 = arith.cmpi ne, %rem3A_1082, %ne3A_1083 : i32
      %and3A_1085 = arith.andi %ne3A_1081, %ne3A_1084 : i1
      %sub3A_1086 = arith.constant 1 : i32
      %sub3A_1087 = arith.subi %div3A_1066, %sub3A_1086 : i32
      %select_n3A_1088 = arith.select %and3A_1085, %sub3A_1087, %div3A_1066 : i32
      %mul3A_1089 = arith.constant 8 : i32
      %mul3A_1090 = arith.muli %select_n3A_1088, %mul3A_1089 : i32
      %sub3A_1091 = arith.subi %add3A_1064, %mul3A_1090 : i32
      %mul3A_1092 = arith.constant 16384 : i32
      %mul3A_1093 = arith.muli %select_n3A_1088, %mul3A_1092 : i32
      %add3A_1094 = arith.addi %mul3A_1093, %mul3A_2 : i32
      %mul3A_1095 = arith.constant 64 : i32
      %mul3A_1096 = arith.muli %sub3A_1091, %mul3A_1095 : i32
      %add3A_1097 = arith.addi %add3A_1094, %mul3A_1096 : i32
      %dma_wait3A_1098 = arith.constant 0 : i32
      %dma_wait3A_1099 = tpu.memref_slice %arg4[%add3A_1097, %dma_wait3A_1098] : memref<819200x128xf32, #tpu.memory_space<hbm>> -> memref<64x128xf32, #tpu.memory_space<hbm>>
      %dma_wait3A_1100 = arith.constant 0 : i32
      %dma_wait3A_1101 = tpu.memref_slice %arg4[%add3A_1097, %dma_wait3A_1100] : memref<819200x128xf32, #tpu.memory_space<hbm>> -> memref<64x128xf32, #tpu.memory_space<hbm>>
      tpu.wait_dma2 semaphore(%arg31 : memref<!tpu.dma_semaphore, #tpu.memory_space<semaphore_mem>>) src(%arg11 : memref<64x128xf32, #tpu.memory_space<vmem>>) dst(%dma_wait3A_1101 : memref<64x128xf32, #tpu.memory_space<hbm>>)
      %add3A_1102 = arith.constant 10 : i32
      %add3A_1103 = arith.addi %mul3A_312, %add3A_1102 : i32
      %add3A_1104 = arith.constant 4 : i32
      %add3A_1105 = arith.addi %add3A_1103, %add3A_1104 : i32
      %jit3A_1106 = arith.constant 8 : i32
      %div3A_1107 = arith.divsi %add3A_1105, %jit3A_1106 : i32
      %sign3A_1108 = arith.constant 0 : i32
      %sign3A_1109 = arith.cmpi sgt, %add3A_1105, %sign3A_1108 : i32
      %sign3A_1110 = arith.extui %sign3A_1109 : i1 to i32
      %sign3A_1111 = arith.constant 0 : i32
      %sign3A_1112 = arith.cmpi slt, %add3A_1105, %sign3A_1111 : i32
      %sign3A_1113 = arith.extui %sign3A_1112 : i1 to i32
      %sign3A_1114 = arith.subi %sign3A_1110, %sign3A_1113 : i32
      %sign3A_1115 = arith.constant 0 : i32
      %sign3A_1116 = arith.cmpi sgt, %jit3A_1106, %sign3A_1115 : i32
      %sign3A_1117 = arith.extui %sign3A_1116 : i1 to i32
      %sign3A_1118 = arith.constant 0 : i32
      %sign3A_1119 = arith.cmpi slt, %jit3A_1106, %sign3A_1118 : i32
      %sign3A_1120 = arith.extui %sign3A_1119 : i1 to i32
      %sign3A_1121 = arith.subi %sign3A_1117, %sign3A_1120 : i32
      %ne3A_1122 = arith.cmpi ne, %sign3A_1114, %sign3A_1121 : i32
      %rem3A_1123 = arith.remsi %add3A_1105, %jit3A_1106 : i32
      %ne3A_1124 = arith.constant 0 : i32
      %ne3A_1125 = arith.cmpi ne, %rem3A_1123, %ne3A_1124 : i32
      %and3A_1126 = arith.andi %ne3A_1122, %ne3A_1125 : i1
      %sub3A_1127 = arith.constant 1 : i32
      %sub3A_1128 = arith.subi %div3A_1107, %sub3A_1127 : i32
      %select_n3A_1129 = arith.select %and3A_1126, %sub3A_1128, %div3A_1107 : i32
      %mul3A_1130 = arith.constant 8 : i32
      %mul3A_1131 = arith.muli %select_n3A_1129, %mul3A_1130 : i32
      %sub3A_1132 = arith.subi %add3A_1105, %mul3A_1131 : i32
      %mul3A_1133 = arith.constant 64 : i32
      %mul3A_1134 = arith.muli %sub3A_1132, %mul3A_1133 : i32
      %dma_start3A_1135 = tpu.memref_slice %arg5[%select_n3A_1129, %mul3A_1134] : memref<50x512xi32, #tpu.memory_space<vmem>> -> memref<1x64xi32, #tpu.memory_space<vmem>>
      %dma_start3A_1136 = tpu.memref_squeeze %dma_start3A_1135 : memref<1x64xi32, #tpu.memory_space<vmem>> -> memref<64xi32, #tpu.memory_space<vmem>>
      %dma_start3A_1137 = arith.constant 0 : i32
      %dma_start3A_1138 = arith.constant 0 : i32
      %dma_start3A_1139 = tpu.memref_slice %arg6[%dma_start3A_1137, %dma_start3A_1138] : memref<1000x128xf32, #tpu.memory_space<vmem_shared>> -> memref<1000x128xf32, #tpu.memory_space<vmem_shared>>
      tpu.enqueue_indirect_dma source(%dma_start3A_1139 : memref<1000x128xf32, #tpu.memory_space<vmem_shared>>) target(%arg11 : memref<64x128xf32, #tpu.memory_space<vmem>>) offsets(%dma_start3A_1136 : memref<64xi32, #tpu.memory_space<vmem>>) semaphore(%arg21 : memref<!tpu.dma_semaphore, #tpu.memory_space<semaphore_mem>>)
      %add3A_1140 = arith.constant 5 : i32
      %add3A_1141 = arith.addi %mul3A_312, %add3A_1140 : i32
      %jit3A_1142 = arith.constant 8 : i32
      %div3A_1143 = arith.divsi %add3A_1141, %jit3A_1142 : i32
      %sign3A_1144 = arith.constant 0 : i32
      %sign3A_1145 = arith.cmpi sgt, %add3A_1141, %sign3A_1144 : i32
      %sign3A_1146 = arith.extui %sign3A_1145 : i1 to i32
      %sign3A_1147 = arith.constant 0 : i32
      %sign3A_1148 = arith.cmpi slt, %add3A_1141, %sign3A_1147 : i32
      %sign3A_1149 = arith.extui %sign3A_1148 : i1 to i32
      %sign3A_1150 = arith.subi %sign3A_1146, %sign3A_1149 : i32
      %sign3A_1151 = arith.constant 0 : i32
      %sign3A_1152 = arith.cmpi sgt, %jit3A_1142, %sign3A_1151 : i32
      %sign3A_1153 = arith.extui %sign3A_1152 : i1 to i32
      %sign3A_1154 = arith.constant 0 : i32
      %sign3A_1155 = arith.cmpi slt, %jit3A_1142, %sign3A_1154 : i32
      %sign3A_1156 = arith.extui %sign3A_1155 : i1 to i32
      %sign3A_1157 = arith.subi %sign3A_1153, %sign3A_1156 : i32
      %ne3A_1158 = arith.cmpi ne, %sign3A_1150, %sign3A_1157 : i32
      %rem3A_1159 = arith.remsi %add3A_1141, %jit3A_1142 : i32
      %ne3A_1160 = arith.constant 0 : i32
      %ne3A_1161 = arith.cmpi ne, %rem3A_1159, %ne3A_1160 : i32
      %and3A_1162 = arith.andi %ne3A_1158, %ne3A_1161 : i1
      %sub3A_1163 = arith.constant 1 : i32
      %sub3A_1164 = arith.subi %div3A_1143, %sub3A_1163 : i32
      %select_n3A_1165 = arith.select %and3A_1162, %sub3A_1164, %div3A_1143 : i32
      %mul3A_1166 = arith.constant 8 : i32
      %mul3A_1167 = arith.muli %select_n3A_1165, %mul3A_1166 : i32
      %sub3A_1168 = arith.subi %add3A_1141, %mul3A_1167 : i32
      %mul3A_1169 = arith.constant 16384 : i32
      %mul3A_1170 = arith.muli %select_n3A_1165, %mul3A_1169 : i32
      %add3A_1171 = arith.addi %mul3A_1170, %mul3A_2 : i32
      %mul3A_1172 = arith.constant 64 : i32
      %mul3A_1173 = arith.muli %sub3A_1168, %mul3A_1172 : i32
      %add3A_1174 = arith.addi %add3A_1171, %mul3A_1173 : i32
      %dma_wait3A_1175 = arith.constant 0 : i32
      %dma_wait3A_1176 = tpu.memref_slice %arg4[%add3A_1174, %dma_wait3A_1175] : memref<819200x128xf32, #tpu.memory_space<hbm>> -> memref<64x128xf32, #tpu.memory_space<hbm>>
      %dma_wait3A_1177 = arith.constant 0 : i32
      %dma_wait3A_1178 = tpu.memref_slice %arg4[%add3A_1174, %dma_wait3A_1177] : memref<819200x128xf32, #tpu.memory_space<hbm>> -> memref<64x128xf32, #tpu.memory_space<hbm>>
      tpu.wait_dma2 semaphore(%arg32 : memref<!tpu.dma_semaphore, #tpu.memory_space<semaphore_mem>>) src(%arg12 : memref<64x128xf32, #tpu.memory_space<vmem>>) dst(%dma_wait3A_1178 : memref<64x128xf32, #tpu.memory_space<hbm>>)
      %add3A_1179 = arith.constant 10 : i32
      %add3A_1180 = arith.addi %mul3A_312, %add3A_1179 : i32
      %add3A_1181 = arith.constant 5 : i32
      %add3A_1182 = arith.addi %add3A_1180, %add3A_1181 : i32
      %jit3A_1183 = arith.constant 8 : i32
      %div3A_1184 = arith.divsi %add3A_1182, %jit3A_1183 : i32
      %sign3A_1185 = arith.constant 0 : i32
      %sign3A_1186 = arith.cmpi sgt, %add3A_1182, %sign3A_1185 : i32
      %sign3A_1187 = arith.extui %sign3A_1186 : i1 to i32
      %sign3A_1188 = arith.constant 0 : i32
      %sign3A_1189 = arith.cmpi slt, %add3A_1182, %sign3A_1188 : i32
      %sign3A_1190 = arith.extui %sign3A_1189 : i1 to i32
      %sign3A_1191 = arith.subi %sign3A_1187, %sign3A_1190 : i32
      %sign3A_1192 = arith.constant 0 : i32
      %sign3A_1193 = arith.cmpi sgt, %jit3A_1183, %sign3A_1192 : i32
      %sign3A_1194 = arith.extui %sign3A_1193 : i1 to i32
      %sign3A_1195 = arith.constant 0 : i32
      %sign3A_1196 = arith.cmpi slt, %jit3A_1183, %sign3A_1195 : i32
      %sign3A_1197 = arith.extui %sign3A_1196 : i1 to i32
      %sign3A_1198 = arith.subi %sign3A_1194, %sign3A_1197 : i32
      %ne3A_1199 = arith.cmpi ne, %sign3A_1191, %sign3A_1198 : i32
      %rem3A_1200 = arith.remsi %add3A_1182, %jit3A_1183 : i32
      %ne3A_1201 = arith.constant 0 : i32
      %ne3A_1202 = arith.cmpi ne, %rem3A_1200, %ne3A_1201 : i32
      %and3A_1203 = arith.andi %ne3A_1199, %ne3A_1202 : i1
      %sub3A_1204 = arith.constant 1 : i32
      %sub3A_1205 = arith.subi %div3A_1184, %sub3A_1204 : i32
      %select_n3A_1206 = arith.select %and3A_1203, %sub3A_1205, %div3A_1184 : i32
      %mul3A_1207 = arith.constant 8 : i32
      %mul3A_1208 = arith.muli %select_n3A_1206, %mul3A_1207 : i32
      %sub3A_1209 = arith.subi %add3A_1182, %mul3A_1208 : i32
      %mul3A_1210 = arith.constant 64 : i32
      %mul3A_1211 = arith.muli %sub3A_1209, %mul3A_1210 : i32
      %dma_start3A_1212 = tpu.memref_slice %arg5[%select_n3A_1206, %mul3A_1211] : memref<50x512xi32, #tpu.memory_space<vmem>> -> memref<1x64xi32, #tpu.memory_space<vmem>>
      %dma_start3A_1213 = tpu.memref_squeeze %dma_start3A_1212 : memref<1x64xi32, #tpu.memory_space<vmem>> -> memref<64xi32, #tpu.memory_space<vmem>>
      %dma_start3A_1214 = arith.constant 0 : i32
      %dma_start3A_1215 = arith.constant 0 : i32
      %dma_start3A_1216 = tpu.memref_slice %arg6[%dma_start3A_1214, %dma_start3A_1215] : memref<1000x128xf32, #tpu.memory_space<vmem_shared>> -> memref<1000x128xf32, #tpu.memory_space<vmem_shared>>
      tpu.enqueue_indirect_dma source(%dma_start3A_1216 : memref<1000x128xf32, #tpu.memory_space<vmem_shared>>) target(%arg12 : memref<64x128xf32, #tpu.memory_space<vmem>>) offsets(%dma_start3A_1213 : memref<64xi32, #tpu.memory_space<vmem>>) semaphore(%arg22 : memref<!tpu.dma_semaphore, #tpu.memory_space<semaphore_mem>>)
      %add3A_1217 = arith.constant 6 : i32
      %add3A_1218 = arith.addi %mul3A_312, %add3A_1217 : i32
      %jit3A_1219 = arith.constant 8 : i32
      %div3A_1220 = arith.divsi %add3A_1218, %jit3A_1219 : i32
      %sign3A_1221 = arith.constant 0 : i32
      %sign3A_1222 = arith.cmpi sgt, %add3A_1218, %sign3A_1221 : i32
      %sign3A_1223 = arith.extui %sign3A_1222 : i1 to i32
      %sign3A_1224 = arith.constant 0 : i32
      %sign3A_1225 = arith.cmpi slt, %add3A_1218, %sign3A_1224 : i32
      %sign3A_1226 = arith.extui %sign3A_1225 : i1 to i32
      %sign3A_1227 = arith.subi %sign3A_1223, %sign3A_1226 : i32
      %sign3A_1228 = arith.constant 0 : i32
      %sign3A_1229 = arith.cmpi sgt, %jit3A_1219, %sign3A_1228 : i32
      %sign3A_1230 = arith.extui %sign3A_1229 : i1 to i32
      %sign3A_1231 = arith.constant 0 : i32
      %sign3A_1232 = arith.cmpi slt, %jit3A_1219, %sign3A_1231 : i32
      %sign3A_1233 = arith.extui %sign3A_1232 : i1 to i32
      %sign3A_1234 = arith.subi %sign3A_1230, %sign3A_1233 : i32
      %ne3A_1235 = arith.cmpi ne, %sign3A_1227, %sign3A_1234 : i32
      %rem3A_1236 = arith.remsi %add3A_1218, %jit3A_1219 : i32
      %ne3A_1237 = arith.constant 0 : i32
      %ne3A_1238 = arith.cmpi ne, %rem3A_1236, %ne3A_1237 : i32
      %and3A_1239 = arith.andi %ne3A_1235, %ne3A_1238 : i1
      %sub3A_1240 = arith.constant 1 : i32
      %sub3A_1241 = arith.subi %div3A_1220, %sub3A_1240 : i32
      %select_n3A_1242 = arith.select %and3A_1239, %sub3A_1241, %div3A_1220 : i32
      %mul3A_1243 = arith.constant 8 : i32
      %mul3A_1244 = arith.muli %select_n3A_1242, %mul3A_1243 : i32
      %sub3A_1245 = arith.subi %add3A_1218, %mul3A_1244 : i32
      %mul3A_1246 = arith.constant 16384 : i32
      %mul3A_1247 = arith.muli %select_n3A_1242, %mul3A_1246 : i32
      %add3A_1248 = arith.addi %mul3A_1247, %mul3A_2 : i32
      %mul3A_1249 = arith.constant 64 : i32
      %mul3A_1250 = arith.muli %sub3A_1245, %mul3A_1249 : i32
      %add3A_1251 = arith.addi %add3A_1248, %mul3A_1250 : i32
      %dma_wait3A_1252 = arith.constant 0 : i32
      %dma_wait3A_1253 = tpu.memref_slice %arg4[%add3A_1251, %dma_wait3A_1252] : memref<819200x128xf32, #tpu.memory_space<hbm>> -> memref<64x128xf32, #tpu.memory_space<hbm>>
      %dma_wait3A_1254 = arith.constant 0 : i32
      %dma_wait3A_1255 = tpu.memref_slice %arg4[%add3A_1251, %dma_wait3A_1254] : memref<819200x128xf32, #tpu.memory_space<hbm>> -> memref<64x128xf32, #tpu.memory_space<hbm>>
      tpu.wait_dma2 semaphore(%arg33 : memref<!tpu.dma_semaphore, #tpu.memory_space<semaphore_mem>>) src(%arg13 : memref<64x128xf32, #tpu.memory_space<vmem>>) dst(%dma_wait3A_1255 : memref<64x128xf32, #tpu.memory_space<hbm>>)
      %add3A_1256 = arith.constant 10 : i32
      %add3A_1257 = arith.addi %mul3A_312, %add3A_1256 : i32
      %add3A_1258 = arith.constant 6 : i32
      %add3A_1259 = arith.addi %add3A_1257, %add3A_1258 : i32
      %jit3A_1260 = arith.constant 8 : i32
      %div3A_1261 = arith.divsi %add3A_1259, %jit3A_1260 : i32
      %sign3A_1262 = arith.constant 0 : i32
      %sign3A_1263 = arith.cmpi sgt, %add3A_1259, %sign3A_1262 : i32
      %sign3A_1264 = arith.extui %sign3A_1263 : i1 to i32
      %sign3A_1265 = arith.constant 0 : i32
      %sign3A_1266 = arith.cmpi slt, %add3A_1259, %sign3A_1265 : i32
      %sign3A_1267 = arith.extui %sign3A_1266 : i1 to i32
      %sign3A_1268 = arith.subi %sign3A_1264, %sign3A_1267 : i32
      %sign3A_1269 = arith.constant 0 : i32
      %sign3A_1270 = arith.cmpi sgt, %jit3A_1260, %sign3A_1269 : i32
      %sign3A_1271 = arith.extui %sign3A_1270 : i1 to i32
      %sign3A_1272 = arith.constant 0 : i32
      %sign3A_1273 = arith.cmpi slt, %jit3A_1260, %sign3A_1272 : i32
      %sign3A_1274 = arith.extui %sign3A_1273 : i1 to i32
      %sign3A_1275 = arith.subi %sign3A_1271, %sign3A_1274 : i32
      %ne3A_1276 = arith.cmpi ne, %sign3A_1268, %sign3A_1275 : i32
      %rem3A_1277 = arith.remsi %add3A_1259, %jit3A_1260 : i32
      %ne3A_1278 = arith.constant 0 : i32
      %ne3A_1279 = arith.cmpi ne, %rem3A_1277, %ne3A_1278 : i32
      %and3A_1280 = arith.andi %ne3A_1276, %ne3A_1279 : i1
      %sub3A_1281 = arith.constant 1 : i32
      %sub3A_1282 = arith.subi %div3A_1261, %sub3A_1281 : i32
      %select_n3A_1283 = arith.select %and3A_1280, %sub3A_1282, %div3A_1261 : i32
      %mul3A_1284 = arith.constant 8 : i32
      %mul3A_1285 = arith.muli %select_n3A_1283, %mul3A_1284 : i32
      %sub3A_1286 = arith.subi %add3A_1259, %mul3A_1285 : i32
      %mul3A_1287 = arith.constant 64 : i32
      %mul3A_1288 = arith.muli %sub3A_1286, %mul3A_1287 : i32
      %dma_start3A_1289 = tpu.memref_slice %arg5[%select_n3A_1283, %mul3A_1288] : memref<50x512xi32, #tpu.memory_space<vmem>> -> memref<1x64xi32, #tpu.memory_space<vmem>>
      %dma_start3A_1290 = tpu.memref_squeeze %dma_start3A_1289 : memref<1x64xi32, #tpu.memory_space<vmem>> -> memref<64xi32, #tpu.memory_space<vmem>>
      %dma_start3A_1291 = arith.constant 0 : i32
      %dma_start3A_1292 = arith.constant 0 : i32
      %dma_start3A_1293 = tpu.memref_slice %arg6[%dma_start3A_1291, %dma_start3A_1292] : memref<1000x128xf32, #tpu.memory_space<vmem_shared>> -> memref<1000x128xf32, #tpu.memory_space<vmem_shared>>
      tpu.enqueue_indirect_dma source(%dma_start3A_1293 : memref<1000x128xf32, #tpu.memory_space<vmem_shared>>) target(%arg13 : memref<64x128xf32, #tpu.memory_space<vmem>>) offsets(%dma_start3A_1290 : memref<64xi32, #tpu.memory_space<vmem>>) semaphore(%arg23 : memref<!tpu.dma_semaphore, #tpu.memory_space<semaphore_mem>>)
      %add3A_1294 = arith.constant 7 : i32
      %add3A_1295 = arith.addi %mul3A_312, %add3A_1294 : i32
      %jit3A_1296 = arith.constant 8 : i32
      %div3A_1297 = arith.divsi %add3A_1295, %jit3A_1296 : i32
      %sign3A_1298 = arith.constant 0 : i32
      %sign3A_1299 = arith.cmpi sgt, %add3A_1295, %sign3A_1298 : i32
      %sign3A_1300 = arith.extui %sign3A_1299 : i1 to i32
      %sign3A_1301 = arith.constant 0 : i32
      %sign3A_1302 = arith.cmpi slt, %add3A_1295, %sign3A_1301 : i32
      %sign3A_1303 = arith.extui %sign3A_1302 : i1 to i32
      %sign3A_1304 = arith.subi %sign3A_1300, %sign3A_1303 : i32
      %sign3A_1305 = arith.constant 0 : i32
      %sign3A_1306 = arith.cmpi sgt, %jit3A_1296, %sign3A_1305 : i32
      %sign3A_1307 = arith.extui %sign3A_1306 : i1 to i32
      %sign3A_1308 = arith.constant 0 : i32
      %sign3A_1309 = arith.cmpi slt, %jit3A_1296, %sign3A_1308 : i32
      %sign3A_1310 = arith.extui %sign3A_1309 : i1 to i32
      %sign3A_1311 = arith.subi %sign3A_1307, %sign3A_1310 : i32
      %ne3A_1312 = arith.cmpi ne, %sign3A_1304, %sign3A_1311 : i32
      %rem3A_1313 = arith.remsi %add3A_1295, %jit3A_1296 : i32
      %ne3A_1314 = arith.constant 0 : i32
      %ne3A_1315 = arith.cmpi ne, %rem3A_1313, %ne3A_1314 : i32
      %and3A_1316 = arith.andi %ne3A_1312, %ne3A_1315 : i1
      %sub3A_1317 = arith.constant 1 : i32
      %sub3A_1318 = arith.subi %div3A_1297, %sub3A_1317 : i32
      %select_n3A_1319 = arith.select %and3A_1316, %sub3A_1318, %div3A_1297 : i32
      %mul3A_1320 = arith.constant 8 : i32
      %mul3A_1321 = arith.muli %select_n3A_1319, %mul3A_1320 : i32
      %sub3A_1322 = arith.subi %add3A_1295, %mul3A_1321 : i32
      %mul3A_1323 = arith.constant 16384 : i32
      %mul3A_1324 = arith.muli %select_n3A_1319, %mul3A_1323 : i32
      %add3A_1325 = arith.addi %mul3A_1324, %mul3A_2 : i32
      %mul3A_1326 = arith.constant 64 : i32
      %mul3A_1327 = arith.muli %sub3A_1322, %mul3A_1326 : i32
      %add3A_1328 = arith.addi %add3A_1325, %mul3A_1327 : i32
      %dma_wait3A_1329 = arith.constant 0 : i32
      %dma_wait3A_1330 = tpu.memref_slice %arg4[%add3A_1328, %dma_wait3A_1329] : memref<819200x128xf32, #tpu.memory_space<hbm>> -> memref<64x128xf32, #tpu.memory_space<hbm>>
      %dma_wait3A_1331 = arith.constant 0 : i32
      %dma_wait3A_1332 = tpu.memref_slice %arg4[%add3A_1328, %dma_wait3A_1331] : memref<819200x128xf32, #tpu.memory_space<hbm>> -> memref<64x128xf32, #tpu.memory_space<hbm>>
      tpu.wait_dma2 semaphore(%arg34 : memref<!tpu.dma_semaphore, #tpu.memory_space<semaphore_mem>>) src(%arg14 : memref<64x128xf32, #tpu.memory_space<vmem>>) dst(%dma_wait3A_1332 : memref<64x128xf32, #tpu.memory_space<hbm>>)
      %add3A_1333 = arith.constant 10 : i32
      %add3A_1334 = arith.addi %mul3A_312, %add3A_1333 : i32
      %add3A_1335 = arith.constant 7 : i32
      %add3A_1336 = arith.addi %add3A_1334, %add3A_1335 : i32
      %jit3A_1337 = arith.constant 8 : i32
      %div3A_1338 = arith.divsi %add3A_1336, %jit3A_1337 : i32
      %sign3A_1339 = arith.constant 0 : i32
      %sign3A_1340 = arith.cmpi sgt, %add3A_1336, %sign3A_1339 : i32
      %sign3A_1341 = arith.extui %sign3A_1340 : i1 to i32
      %sign3A_1342 = arith.constant 0 : i32
      %sign3A_1343 = arith.cmpi slt, %add3A_1336, %sign3A_1342 : i32
      %sign3A_1344 = arith.extui %sign3A_1343 : i1 to i32
      %sign3A_1345 = arith.subi %sign3A_1341, %sign3A_1344 : i32
      %sign3A_1346 = arith.constant 0 : i32
      %sign3A_1347 = arith.cmpi sgt, %jit3A_1337, %sign3A_1346 : i32
      %sign3A_1348 = arith.extui %sign3A_1347 : i1 to i32
      %sign3A_1349 = arith.constant 0 : i32
      %sign3A_1350 = arith.cmpi slt, %jit3A_1337, %sign3A_1349 : i32
      %sign3A_1351 = arith.extui %sign3A_1350 : i1 to i32
      %sign3A_1352 = arith.subi %sign3A_1348, %sign3A_1351 : i32
      %ne3A_1353 = arith.cmpi ne, %sign3A_1345, %sign3A_1352 : i32
      %rem3A_1354 = arith.remsi %add3A_1336, %jit3A_1337 : i32
      %ne3A_1355 = arith.constant 0 : i32
      %ne3A_1356 = arith.cmpi ne, %rem3A_1354, %ne3A_1355 : i32
      %and3A_1357 = arith.andi %ne3A_1353, %ne3A_1356 : i1
      %sub3A_1358 = arith.constant 1 : i32
      %sub3A_1359 = arith.subi %div3A_1338, %sub3A_1358 : i32
      %select_n3A_1360 = arith.select %and3A_1357, %sub3A_1359, %div3A_1338 : i32
      %mul3A_1361 = arith.constant 8 : i32
      %mul3A_1362 = arith.muli %select_n3A_1360, %mul3A_1361 : i32
      %sub3A_1363 = arith.subi %add3A_1336, %mul3A_1362 : i32
      %mul3A_1364 = arith.constant 64 : i32
      %mul3A_1365 = arith.muli %sub3A_1363, %mul3A_1364 : i32
      %dma_start3A_1366 = tpu.memref_slice %arg5[%select_n3A_1360, %mul3A_1365] : memref<50x512xi32, #tpu.memory_space<vmem>> -> memref<1x64xi32, #tpu.memory_space<vmem>>
      %dma_start3A_1367 = tpu.memref_squeeze %dma_start3A_1366 : memref<1x64xi32, #tpu.memory_space<vmem>> -> memref<64xi32, #tpu.memory_space<vmem>>
      %dma_start3A_1368 = arith.constant 0 : i32
      %dma_start3A_1369 = arith.constant 0 : i32
      %dma_start3A_1370 = tpu.memref_slice %arg6[%dma_start3A_1368, %dma_start3A_1369] : memref<1000x128xf32, #tpu.memory_space<vmem_shared>> -> memref<1000x128xf32, #tpu.memory_space<vmem_shared>>
      tpu.enqueue_indirect_dma source(%dma_start3A_1370 : memref<1000x128xf32, #tpu.memory_space<vmem_shared>>) target(%arg14 : memref<64x128xf32, #tpu.memory_space<vmem>>) offsets(%dma_start3A_1367 : memref<64xi32, #tpu.memory_space<vmem>>) semaphore(%arg24 : memref<!tpu.dma_semaphore, #tpu.memory_space<semaphore_mem>>)
      %add3A_1371 = arith.constant 8 : i32
      %add3A_1372 = arith.addi %mul3A_312, %add3A_1371 : i32
      %jit3A_1373 = arith.constant 8 : i32
      %div3A_1374 = arith.divsi %add3A_1372, %jit3A_1373 : i32
      %sign3A_1375 = arith.constant 0 : i32
      %sign3A_1376 = arith.cmpi sgt, %add3A_1372, %sign3A_1375 : i32
      %sign3A_1377 = arith.extui %sign3A_1376 : i1 to i32
      %sign3A_1378 = arith.constant 0 : i32
      %sign3A_1379 = arith.cmpi slt, %add3A_1372, %sign3A_1378 : i32
      %sign3A_1380 = arith.extui %sign3A_1379 : i1 to i32
      %sign3A_1381 = arith.subi %sign3A_1377, %sign3A_1380 : i32
      %sign3A_1382 = arith.constant 0 : i32
      %sign3A_1383 = arith.cmpi sgt, %jit3A_1373, %sign3A_1382 : i32
      %sign3A_1384 = arith.extui %sign3A_1383 : i1 to i32
      %sign3A_1385 = arith.constant 0 : i32
      %sign3A_1386 = arith.cmpi slt, %jit3A_1373, %sign3A_1385 : i32
      %sign3A_1387 = arith.extui %sign3A_1386 : i1 to i32
      %sign3A_1388 = arith.subi %sign3A_1384, %sign3A_1387 : i32
      %ne3A_1389 = arith.cmpi ne, %sign3A_1381, %sign3A_1388 : i32
      %rem3A_1390 = arith.remsi %add3A_1372, %jit3A_1373 : i32
      %ne3A_1391 = arith.constant 0 : i32
      %ne3A_1392 = arith.cmpi ne, %rem3A_1390, %ne3A_1391 : i32
      %and3A_1393 = arith.andi %ne3A_1389, %ne3A_1392 : i1
      %sub3A_1394 = arith.constant 1 : i32
      %sub3A_1395 = arith.subi %div3A_1374, %sub3A_1394 : i32
      %select_n3A_1396 = arith.select %and3A_1393, %sub3A_1395, %div3A_1374 : i32
      %mul3A_1397 = arith.constant 8 : i32
      %mul3A_1398 = arith.muli %select_n3A_1396, %mul3A_1397 : i32
      %sub3A_1399 = arith.subi %add3A_1372, %mul3A_1398 : i32
      %mul3A_1400 = arith.constant 16384 : i32
      %mul3A_1401 = arith.muli %select_n3A_1396, %mul3A_1400 : i32
      %add3A_1402 = arith.addi %mul3A_1401, %mul3A_2 : i32
      %mul3A_1403 = arith.constant 64 : i32
      %mul3A_1404 = arith.muli %sub3A_1399, %mul3A_1403 : i32
      %add3A_1405 = arith.addi %add3A_1402, %mul3A_1404 : i32
      %dma_wait3A_1406 = arith.constant 0 : i32
      %dma_wait3A_1407 = tpu.memref_slice %arg4[%add3A_1405, %dma_wait3A_1406] : memref<819200x128xf32, #tpu.memory_space<hbm>> -> memref<64x128xf32, #tpu.memory_space<hbm>>
      %dma_wait3A_1408 = arith.constant 0 : i32
      %dma_wait3A_1409 = tpu.memref_slice %arg4[%add3A_1405, %dma_wait3A_1408] : memref<819200x128xf32, #tpu.memory_space<hbm>> -> memref<64x128xf32, #tpu.memory_space<hbm>>
      tpu.wait_dma2 semaphore(%arg35 : memref<!tpu.dma_semaphore, #tpu.memory_space<semaphore_mem>>) src(%arg15 : memref<64x128xf32, #tpu.memory_space<vmem>>) dst(%dma_wait3A_1409 : memref<64x128xf32, #tpu.memory_space<hbm>>)
      %add3A_1410 = arith.constant 10 : i32
      %add3A_1411 = arith.addi %mul3A_312, %add3A_1410 : i32
      %add3A_1412 = arith.constant 8 : i32
      %add3A_1413 = arith.addi %add3A_1411, %add3A_1412 : i32
      %jit3A_1414 = arith.constant 8 : i32
      %div3A_1415 = arith.divsi %add3A_1413, %jit3A_1414 : i32
      %sign3A_1416 = arith.constant 0 : i32
      %sign3A_1417 = arith.cmpi sgt, %add3A_1413, %sign3A_1416 : i32
      %sign3A_1418 = arith.extui %sign3A_1417 : i1 to i32
      %sign3A_1419 = arith.constant 0 : i32
      %sign3A_1420 = arith.cmpi slt, %add3A_1413, %sign3A_1419 : i32
      %sign3A_1421 = arith.extui %sign3A_1420 : i1 to i32
      %sign3A_1422 = arith.subi %sign3A_1418, %sign3A_1421 : i32
      %sign3A_1423 = arith.constant 0 : i32
      %sign3A_1424 = arith.cmpi sgt, %jit3A_1414, %sign3A_1423 : i32
      %sign3A_1425 = arith.extui %sign3A_1424 : i1 to i32
      %sign3A_1426 = arith.constant 0 : i32
      %sign3A_1427 = arith.cmpi slt, %jit3A_1414, %sign3A_1426 : i32
      %sign3A_1428 = arith.extui %sign3A_1427 : i1 to i32
      %sign3A_1429 = arith.subi %sign3A_1425, %sign3A_1428 : i32
      %ne3A_1430 = arith.cmpi ne, %sign3A_1422, %sign3A_1429 : i32
      %rem3A_1431 = arith.remsi %add3A_1413, %jit3A_1414 : i32
      %ne3A_1432 = arith.constant 0 : i32
      %ne3A_1433 = arith.cmpi ne, %rem3A_1431, %ne3A_1432 : i32
      %and3A_1434 = arith.andi %ne3A_1430, %ne3A_1433 : i1
      %sub3A_1435 = arith.constant 1 : i32
      %sub3A_1436 = arith.subi %div3A_1415, %sub3A_1435 : i32
      %select_n3A_1437 = arith.select %and3A_1434, %sub3A_1436, %div3A_1415 : i32
      %mul3A_1438 = arith.constant 8 : i32
      %mul3A_1439 = arith.muli %select_n3A_1437, %mul3A_1438 : i32
      %sub3A_1440 = arith.subi %add3A_1413, %mul3A_1439 : i32
      %mul3A_1441 = arith.constant 64 : i32
      %mul3A_1442 = arith.muli %sub3A_1440, %mul3A_1441 : i32
      %dma_start3A_1443 = tpu.memref_slice %arg5[%select_n3A_1437, %mul3A_1442] : memref<50x512xi32, #tpu.memory_space<vmem>> -> memref<1x64xi32, #tpu.memory_space<vmem>>
      %dma_start3A_1444 = tpu.memref_squeeze %dma_start3A_1443 : memref<1x64xi32, #tpu.memory_space<vmem>> -> memref<64xi32, #tpu.memory_space<vmem>>
      %dma_start3A_1445 = arith.constant 0 : i32
      %dma_start3A_1446 = arith.constant 0 : i32
      %dma_start3A_1447 = tpu.memref_slice %arg6[%dma_start3A_1445, %dma_start3A_1446] : memref<1000x128xf32, #tpu.memory_space<vmem_shared>> -> memref<1000x128xf32, #tpu.memory_space<vmem_shared>>
      tpu.enqueue_indirect_dma source(%dma_start3A_1447 : memref<1000x128xf32, #tpu.memory_space<vmem_shared>>) target(%arg15 : memref<64x128xf32, #tpu.memory_space<vmem>>) offsets(%dma_start3A_1444 : memref<64xi32, #tpu.memory_space<vmem>>) semaphore(%arg25 : memref<!tpu.dma_semaphore, #tpu.memory_space<semaphore_mem>>)
      %add3A_1448 = arith.constant 9 : i32
      %add3A_1449 = arith.addi %mul3A_312, %add3A_1448 : i32
      %jit3A_1450 = arith.constant 8 : i32
      %div3A_1451 = arith.divsi %add3A_1449, %jit3A_1450 : i32
      %sign3A_1452 = arith.constant 0 : i32
      %sign3A_1453 = arith.cmpi sgt, %add3A_1449, %sign3A_1452 : i32
      %sign3A_1454 = arith.extui %sign3A_1453 : i1 to i32
      %sign3A_1455 = arith.constant 0 : i32
      %sign3A_1456 = arith.cmpi slt, %add3A_1449, %sign3A_1455 : i32
      %sign3A_1457 = arith.extui %sign3A_1456 : i1 to i32
      %sign3A_1458 = arith.subi %sign3A_1454, %sign3A_1457 : i32
      %sign3A_1459 = arith.constant 0 : i32
      %sign3A_1460 = arith.cmpi sgt, %jit3A_1450, %sign3A_1459 : i32
      %sign3A_1461 = arith.extui %sign3A_1460 : i1 to i32
      %sign3A_1462 = arith.constant 0 : i32
      %sign3A_1463 = arith.cmpi slt, %jit3A_1450, %sign3A_1462 : i32
      %sign3A_1464 = arith.extui %sign3A_1463 : i1 to i32
      %sign3A_1465 = arith.subi %sign3A_1461, %sign3A_1464 : i32
      %ne3A_1466 = arith.cmpi ne, %sign3A_1458, %sign3A_1465 : i32
      %rem3A_1467 = arith.remsi %add3A_1449, %jit3A_1450 : i32
      %ne3A_1468 = arith.constant 0 : i32
      %ne3A_1469 = arith.cmpi ne, %rem3A_1467, %ne3A_1468 : i32
      %and3A_1470 = arith.andi %ne3A_1466, %ne3A_1469 : i1
      %sub3A_1471 = arith.constant 1 : i32
      %sub3A_1472 = arith.subi %div3A_1451, %sub3A_1471 : i32
      %select_n3A_1473 = arith.select %and3A_1470, %sub3A_1472, %div3A_1451 : i32
      %mul3A_1474 = arith.constant 8 : i32
      %mul3A_1475 = arith.muli %select_n3A_1473, %mul3A_1474 : i32
      %sub3A_1476 = arith.subi %add3A_1449, %mul3A_1475 : i32
      %mul3A_1477 = arith.constant 16384 : i32
      %mul3A_1478 = arith.muli %select_n3A_1473, %mul3A_1477 : i32
      %add3A_1479 = arith.addi %mul3A_1478, %mul3A_2 : i32
      %mul3A_1480 = arith.constant 64 : i32
      %mul3A_1481 = arith.muli %sub3A_1476, %mul3A_1480 : i32
      %add3A_1482 = arith.addi %add3A_1479, %mul3A_1481 : i32
      %dma_wait3A_1483 = arith.constant 0 : i32
      %dma_wait3A_1484 = tpu.memref_slice %arg4[%add3A_1482, %dma_wait3A_1483] : memref<819200x128xf32, #tpu.memory_space<hbm>> -> memref<64x128xf32, #tpu.memory_space<hbm>>
      %dma_wait3A_1485 = arith.constant 0 : i32
      %dma_wait3A_1486 = tpu.memref_slice %arg4[%add3A_1482, %dma_wait3A_1485] : memref<819200x128xf32, #tpu.memory_space<hbm>> -> memref<64x128xf32, #tpu.memory_space<hbm>>
      tpu.wait_dma2 semaphore(%arg36 : memref<!tpu.dma_semaphore, #tpu.memory_space<semaphore_mem>>) src(%arg16 : memref<64x128xf32, #tpu.memory_space<vmem>>) dst(%dma_wait3A_1486 : memref<64x128xf32, #tpu.memory_space<hbm>>)
      %add3A_1487 = arith.constant 10 : i32
      %add3A_1488 = arith.addi %mul3A_312, %add3A_1487 : i32
      %add3A_1489 = arith.constant 9 : i32
      %add3A_1490 = arith.addi %add3A_1488, %add3A_1489 : i32
      %jit3A_1491 = arith.constant 8 : i32
      %div3A_1492 = arith.divsi %add3A_1490, %jit3A_1491 : i32
      %sign3A_1493 = arith.constant 0 : i32
      %sign3A_1494 = arith.cmpi sgt, %add3A_1490, %sign3A_1493 : i32
      %sign3A_1495 = arith.extui %sign3A_1494 : i1 to i32
      %sign3A_1496 = arith.constant 0 : i32
      %sign3A_1497 = arith.cmpi slt, %add3A_1490, %sign3A_1496 : i32
      %sign3A_1498 = arith.extui %sign3A_1497 : i1 to i32
      %sign3A_1499 = arith.subi %sign3A_1495, %sign3A_1498 : i32
      %sign3A_1500 = arith.constant 0 : i32
      %sign3A_1501 = arith.cmpi sgt, %jit3A_1491, %sign3A_1500 : i32
      %sign3A_1502 = arith.extui %sign3A_1501 : i1 to i32
      %sign3A_1503 = arith.constant 0 : i32
      %sign3A_1504 = arith.cmpi slt, %jit3A_1491, %sign3A_1503 : i32
      %sign3A_1505 = arith.extui %sign3A_1504 : i1 to i32
      %sign3A_1506 = arith.subi %sign3A_1502, %sign3A_1505 : i32
      %ne3A_1507 = arith.cmpi ne, %sign3A_1499, %sign3A_1506 : i32
      %rem3A_1508 = arith.remsi %add3A_1490, %jit3A_1491 : i32
      %ne3A_1509 = arith.constant 0 : i32
      %ne3A_1510 = arith.cmpi ne, %rem3A_1508, %ne3A_1509 : i32
      %and3A_1511 = arith.andi %ne3A_1507, %ne3A_1510 : i1
      %sub3A_1512 = arith.constant 1 : i32
      %sub3A_1513 = arith.subi %div3A_1492, %sub3A_1512 : i32
      %select_n3A_1514 = arith.select %and3A_1511, %sub3A_1513, %div3A_1492 : i32
      %mul3A_1515 = arith.constant 8 : i32
      %mul3A_1516 = arith.muli %select_n3A_1514, %mul3A_1515 : i32
      %sub3A_1517 = arith.subi %add3A_1490, %mul3A_1516 : i32
      %mul3A_1518 = arith.constant 64 : i32
      %mul3A_1519 = arith.muli %sub3A_1517, %mul3A_1518 : i32
      %dma_start3A_1520 = tpu.memref_slice %arg5[%select_n3A_1514, %mul3A_1519] : memref<50x512xi32, #tpu.memory_space<vmem>> -> memref<1x64xi32, #tpu.memory_space<vmem>>
      %dma_start3A_1521 = tpu.memref_squeeze %dma_start3A_1520 : memref<1x64xi32, #tpu.memory_space<vmem>> -> memref<64xi32, #tpu.memory_space<vmem>>
      %dma_start3A_1522 = arith.constant 0 : i32
      %dma_start3A_1523 = arith.constant 0 : i32
      %dma_start3A_1524 = tpu.memref_slice %arg6[%dma_start3A_1522, %dma_start3A_1523] : memref<1000x128xf32, #tpu.memory_space<vmem_shared>> -> memref<1000x128xf32, #tpu.memory_space<vmem_shared>>
      tpu.enqueue_indirect_dma source(%dma_start3A_1524 : memref<1000x128xf32, #tpu.memory_space<vmem_shared>>) target(%arg16 : memref<64x128xf32, #tpu.memory_space<vmem>>) offsets(%dma_start3A_1521 : memref<64xi32, #tpu.memory_space<vmem>>) semaphore(%arg26 : memref<!tpu.dma_semaphore, #tpu.memory_space<semaphore_mem>>)
    }
    %scan3A_89 = arith.constant 39 : i32
    %dma_wait3A_90 = arith.constant 0 : i32
    %dma_wait3A_91 = arith.constant 0 : i32
    %dma_wait3A_92 = tpu.memref_slice %arg6[%dma_wait3A_90, %dma_wait3A_91] : memref<1000x128xf32, #tpu.memory_space<vmem_shared>> -> memref<64x128xf32, #tpu.memory_space<vmem_shared>>
    %dma_wait3A_93 = arith.constant 0 : i32
    %dma_wait3A_94 = arith.constant 0 : i32
    %dma_wait3A_95 = tpu.memref_slice %arg6[%dma_wait3A_93, %dma_wait3A_94] : memref<1000x128xf32, #tpu.memory_space<vmem_shared>> -> memref<64x128xf32, #tpu.memory_space<vmem_shared>>
    tpu.wait_dma2 semaphore(%arg17 : memref<!tpu.dma_semaphore, #tpu.memory_space<semaphore_mem>>) src(%dma_wait3A_95 : memref<64x128xf32, #tpu.memory_space<vmem_shared>>) dst(%arg7 : memref<64x128xf32, #tpu.memory_space<vmem>>)
    %add3A_96 = arith.constant 786432 : i32
    %add3A_97 = arith.addi %add3A_96, %mul3A_2 : i32
    %add3A_98 = arith.constant 384 : i32
    %add3A_99 = arith.addi %add3A_97, %add3A_98 : i32
    %dma_start3A_100 = arith.constant 0 : i32
    %dma_start3A_101 = tpu.memref_slice %arg4[%add3A_99, %dma_start3A_100] : memref<819200x128xf32, #tpu.memory_space<hbm>> -> memref<64x128xf32, #tpu.memory_space<hbm>>
    %dma_start3A_102 = arith.constant 0 : i32
    %dma_start3A_103 = tpu.memref_slice %arg4[%add3A_99, %dma_start3A_102] : memref<819200x128xf32, #tpu.memory_space<hbm>> -> memref<64x128xf32, #tpu.memory_space<hbm>>
    tpu.enqueue_dma source(%arg7 : memref<64x128xf32, #tpu.memory_space<vmem>>) target(%dma_start3A_103 : memref<64x128xf32, #tpu.memory_space<hbm>>) target_semaphore(%arg27 : memref<!tpu.dma_semaphore, #tpu.memory_space<semaphore_mem>>)
    %dma_wait3A_104 = arith.constant 0 : i32
    %dma_wait3A_105 = arith.constant 0 : i32
    %dma_wait3A_106 = tpu.memref_slice %arg6[%dma_wait3A_104, %dma_wait3A_105] : memref<1000x128xf32, #tpu.memory_space<vmem_shared>> -> memref<64x128xf32, #tpu.memory_space<vmem_shared>>
    %dma_wait3A_107 = arith.constant 0 : i32
    %dma_wait3A_108 = arith.constant 0 : i32
    %dma_wait3A_109 = tpu.memref_slice %arg6[%dma_wait3A_107, %dma_wait3A_108] : memref<1000x128xf32, #tpu.memory_space<vmem_shared>> -> memref<64x128xf32, #tpu.memory_space<vmem_shared>>
    tpu.wait_dma2 semaphore(%arg18 : memref<!tpu.dma_semaphore, #tpu.memory_space<semaphore_mem>>) src(%dma_wait3A_109 : memref<64x128xf32, #tpu.memory_space<vmem_shared>>) dst(%arg8 : memref<64x128xf32, #tpu.memory_space<vmem>>)
    %add3A_110 = arith.constant 786432 : i32
    %add3A_111 = arith.addi %add3A_110, %mul3A_2 : i32
    %add3A_112 = arith.constant 448 : i32
    %add3A_113 = arith.addi %add3A_111, %add3A_112 : i32
    %dma_start3A_114 = arith.constant 0 : i32
    %dma_start3A_115 = tpu.memref_slice %arg4[%add3A_113, %dma_start3A_114] : memref<819200x128xf32, #tpu.memory_space<hbm>> -> memref<64x128xf32, #tpu.memory_space<hbm>>
    %dma_start3A_116 = arith.constant 0 : i32
    %dma_start3A_117 = tpu.memref_slice %arg4[%add3A_113, %dma_start3A_116] : memref<819200x128xf32, #tpu.memory_space<hbm>> -> memref<64x128xf32, #tpu.memory_space<hbm>>
    tpu.enqueue_dma source(%arg8 : memref<64x128xf32, #tpu.memory_space<vmem>>) target(%dma_start3A_117 : memref<64x128xf32, #tpu.memory_space<hbm>>) target_semaphore(%arg28 : memref<!tpu.dma_semaphore, #tpu.memory_space<semaphore_mem>>)
    %dma_wait3A_118 = arith.constant 0 : i32
    %dma_wait3A_119 = arith.constant 0 : i32
    %dma_wait3A_120 = tpu.memref_slice %arg6[%dma_wait3A_118, %dma_wait3A_119] : memref<1000x128xf32, #tpu.memory_space<vmem_shared>> -> memref<64x128xf32, #tpu.memory_space<vmem_shared>>
    %dma_wait3A_121 = arith.constant 0 : i32
    %dma_wait3A_122 = arith.constant 0 : i32
    %dma_wait3A_123 = tpu.memref_slice %arg6[%dma_wait3A_121, %dma_wait3A_122] : memref<1000x128xf32, #tpu.memory_space<vmem_shared>> -> memref<64x128xf32, #tpu.memory_space<vmem_shared>>
    tpu.wait_dma2 semaphore(%arg19 : memref<!tpu.dma_semaphore, #tpu.memory_space<semaphore_mem>>) src(%dma_wait3A_123 : memref<64x128xf32, #tpu.memory_space<vmem_shared>>) dst(%arg9 : memref<64x128xf32, #tpu.memory_space<vmem>>)
    %add3A_124 = arith.constant 802816 : i32
    %add3A_125 = arith.addi %add3A_124, %mul3A_2 : i32
    %add3A_126 = arith.constant 0 : i32
    %add3A_127 = arith.addi %add3A_125, %add3A_126 : i32
    %dma_start3A_128 = arith.constant 0 : i32
    %dma_start3A_129 = tpu.memref_slice %arg4[%add3A_127, %dma_start3A_128] : memref<819200x128xf32, #tpu.memory_space<hbm>> -> memref<64x128xf32, #tpu.memory_space<hbm>>
    %dma_start3A_130 = arith.constant 0 : i32
    %dma_start3A_131 = tpu.memref_slice %arg4[%add3A_127, %dma_start3A_130] : memref<819200x128xf32, #tpu.memory_space<hbm>> -> memref<64x128xf32, #tpu.memory_space<hbm>>
    tpu.enqueue_dma source(%arg9 : memref<64x128xf32, #tpu.memory_space<vmem>>) target(%dma_start3A_131 : memref<64x128xf32, #tpu.memory_space<hbm>>) target_semaphore(%arg29 : memref<!tpu.dma_semaphore, #tpu.memory_space<semaphore_mem>>)
    %dma_wait3A_132 = arith.constant 0 : i32
    %dma_wait3A_133 = arith.constant 0 : i32
    %dma_wait3A_134 = tpu.memref_slice %arg6[%dma_wait3A_132, %dma_wait3A_133] : memref<1000x128xf32, #tpu.memory_space<vmem_shared>> -> memref<64x128xf32, #tpu.memory_space<vmem_shared>>
    %dma_wait3A_135 = arith.constant 0 : i32
    %dma_wait3A_136 = arith.constant 0 : i32
    %dma_wait3A_137 = tpu.memref_slice %arg6[%dma_wait3A_135, %dma_wait3A_136] : memref<1000x128xf32, #tpu.memory_space<vmem_shared>> -> memref<64x128xf32, #tpu.memory_space<vmem_shared>>
    tpu.wait_dma2 semaphore(%arg20 : memref<!tpu.dma_semaphore, #tpu.memory_space<semaphore_mem>>) src(%dma_wait3A_137 : memref<64x128xf32, #tpu.memory_space<vmem_shared>>) dst(%arg10 : memref<64x128xf32, #tpu.memory_space<vmem>>)
    %add3A_138 = arith.constant 802816 : i32
    %add3A_139 = arith.addi %add3A_138, %mul3A_2 : i32
    %add3A_140 = arith.constant 64 : i32
    %add3A_141 = arith.addi %add3A_139, %add3A_140 : i32
    %dma_start3A_142 = arith.constant 0 : i32
    %dma_start3A_143 = tpu.memref_slice %arg4[%add3A_141, %dma_start3A_142] : memref<819200x128xf32, #tpu.memory_space<hbm>> -> memref<64x128xf32, #tpu.memory_space<hbm>>
    %dma_start3A_144 = arith.constant 0 : i32
    %dma_start3A_145 = tpu.memref_slice %arg4[%add3A_141, %dma_start3A_144] : memref<819200x128xf32, #tpu.memory_space<hbm>> -> memref<64x128xf32, #tpu.memory_space<hbm>>
    tpu.enqueue_dma source(%arg10 : memref<64x128xf32, #tpu.memory_space<vmem>>) target(%dma_start3A_145 : memref<64x128xf32, #tpu.memory_space<hbm>>) target_semaphore(%arg30 : memref<!tpu.dma_semaphore, #tpu.memory_space<semaphore_mem>>)
    %dma_wait3A_146 = arith.constant 0 : i32
    %dma_wait3A_147 = arith.constant 0 : i32
    %dma_wait3A_148 = tpu.memref_slice %arg6[%dma_wait3A_146, %dma_wait3A_147] : memref<1000x128xf32, #tpu.memory_space<vmem_shared>> -> memref<64x128xf32, #tpu.memory_space<vmem_shared>>
    %dma_wait3A_149 = arith.constant 0 : i32
    %dma_wait3A_150 = arith.constant 0 : i32
    %dma_wait3A_151 = tpu.memref_slice %arg6[%dma_wait3A_149, %dma_wait3A_150] : memref<1000x128xf32, #tpu.memory_space<vmem_shared>> -> memref<64x128xf32, #tpu.memory_space<vmem_shared>>
    tpu.wait_dma2 semaphore(%arg21 : memref<!tpu.dma_semaphore, #tpu.memory_space<semaphore_mem>>) src(%dma_wait3A_151 : memref<64x128xf32, #tpu.memory_space<vmem_shared>>) dst(%arg11 : memref<64x128xf32, #tpu.memory_space<vmem>>)
    %add3A_152 = arith.constant 802816 : i32
    %add3A_153 = arith.addi %add3A_152, %mul3A_2 : i32
    %add3A_154 = arith.constant 128 : i32
    %add3A_155 = arith.addi %add3A_153, %add3A_154 : i32
    %dma_start3A_156 = arith.constant 0 : i32
    %dma_start3A_157 = tpu.memref_slice %arg4[%add3A_155, %dma_start3A_156] : memref<819200x128xf32, #tpu.memory_space<hbm>> -> memref<64x128xf32, #tpu.memory_space<hbm>>
    %dma_start3A_158 = arith.constant 0 : i32
    %dma_start3A_159 = tpu.memref_slice %arg4[%add3A_155, %dma_start3A_158] : memref<819200x128xf32, #tpu.memory_space<hbm>> -> memref<64x128xf32, #tpu.memory_space<hbm>>
    tpu.enqueue_dma source(%arg11 : memref<64x128xf32, #tpu.memory_space<vmem>>) target(%dma_start3A_159 : memref<64x128xf32, #tpu.memory_space<hbm>>) target_semaphore(%arg31 : memref<!tpu.dma_semaphore, #tpu.memory_space<semaphore_mem>>)
    %dma_wait3A_160 = arith.constant 0 : i32
    %dma_wait3A_161 = arith.constant 0 : i32
    %dma_wait3A_162 = tpu.memref_slice %arg6[%dma_wait3A_160, %dma_wait3A_161] : memref<1000x128xf32, #tpu.memory_space<vmem_shared>> -> memref<64x128xf32, #tpu.memory_space<vmem_shared>>
    %dma_wait3A_163 = arith.constant 0 : i32
    %dma_wait3A_164 = arith.constant 0 : i32
    %dma_wait3A_165 = tpu.memref_slice %arg6[%dma_wait3A_163, %dma_wait3A_164] : memref<1000x128xf32, #tpu.memory_space<vmem_shared>> -> memref<64x128xf32, #tpu.memory_space<vmem_shared>>
    tpu.wait_dma2 semaphore(%arg22 : memref<!tpu.dma_semaphore, #tpu.memory_space<semaphore_mem>>) src(%dma_wait3A_165 : memref<64x128xf32, #tpu.memory_space<vmem_shared>>) dst(%arg12 : memref<64x128xf32, #tpu.memory_space<vmem>>)
    %add3A_166 = arith.constant 802816 : i32
    %add3A_167 = arith.addi %add3A_166, %mul3A_2 : i32
    %add3A_168 = arith.constant 192 : i32
    %add3A_169 = arith.addi %add3A_167, %add3A_168 : i32
    %dma_start3A_170 = arith.constant 0 : i32
    %dma_start3A_171 = tpu.memref_slice %arg4[%add3A_169, %dma_start3A_170] : memref<819200x128xf32, #tpu.memory_space<hbm>> -> memref<64x128xf32, #tpu.memory_space<hbm>>
    %dma_start3A_172 = arith.constant 0 : i32
    %dma_start3A_173 = tpu.memref_slice %arg4[%add3A_169, %dma_start3A_172] : memref<819200x128xf32, #tpu.memory_space<hbm>> -> memref<64x128xf32, #tpu.memory_space<hbm>>
    tpu.enqueue_dma source(%arg12 : memref<64x128xf32, #tpu.memory_space<vmem>>) target(%dma_start3A_173 : memref<64x128xf32, #tpu.memory_space<hbm>>) target_semaphore(%arg32 : memref<!tpu.dma_semaphore, #tpu.memory_space<semaphore_mem>>)
    %dma_wait3A_174 = arith.constant 0 : i32
    %dma_wait3A_175 = arith.constant 0 : i32
    %dma_wait3A_176 = tpu.memref_slice %arg6[%dma_wait3A_174, %dma_wait3A_175] : memref<1000x128xf32, #tpu.memory_space<vmem_shared>> -> memref<64x128xf32, #tpu.memory_space<vmem_shared>>
    %dma_wait3A_177 = arith.constant 0 : i32
    %dma_wait3A_178 = arith.constant 0 : i32
    %dma_wait3A_179 = tpu.memref_slice %arg6[%dma_wait3A_177, %dma_wait3A_178] : memref<1000x128xf32, #tpu.memory_space<vmem_shared>> -> memref<64x128xf32, #tpu.memory_space<vmem_shared>>
    tpu.wait_dma2 semaphore(%arg23 : memref<!tpu.dma_semaphore, #tpu.memory_space<semaphore_mem>>) src(%dma_wait3A_179 : memref<64x128xf32, #tpu.memory_space<vmem_shared>>) dst(%arg13 : memref<64x128xf32, #tpu.memory_space<vmem>>)
    %add3A_180 = arith.constant 802816 : i32
    %add3A_181 = arith.addi %add3A_180, %mul3A_2 : i32
    %add3A_182 = arith.constant 256 : i32
    %add3A_183 = arith.addi %add3A_181, %add3A_182 : i32
    %dma_start3A_184 = arith.constant 0 : i32
    %dma_start3A_185 = tpu.memref_slice %arg4[%add3A_183, %dma_start3A_184] : memref<819200x128xf32, #tpu.memory_space<hbm>> -> memref<64x128xf32, #tpu.memory_space<hbm>>
    %dma_start3A_186 = arith.constant 0 : i32
    %dma_start3A_187 = tpu.memref_slice %arg4[%add3A_183, %dma_start3A_186] : memref<819200x128xf32, #tpu.memory_space<hbm>> -> memref<64x128xf32, #tpu.memory_space<hbm>>
    tpu.enqueue_dma source(%arg13 : memref<64x128xf32, #tpu.memory_space<vmem>>) target(%dma_start3A_187 : memref<64x128xf32, #tpu.memory_space<hbm>>) target_semaphore(%arg33 : memref<!tpu.dma_semaphore, #tpu.memory_space<semaphore_mem>>)
    %dma_wait3A_188 = arith.constant 0 : i32
    %dma_wait3A_189 = arith.constant 0 : i32
    %dma_wait3A_190 = tpu.memref_slice %arg6[%dma_wait3A_188, %dma_wait3A_189] : memref<1000x128xf32, #tpu.memory_space<vmem_shared>> -> memref<64x128xf32, #tpu.memory_space<vmem_shared>>
    %dma_wait3A_191 = arith.constant 0 : i32
    %dma_wait3A_192 = arith.constant 0 : i32
    %dma_wait3A_193 = tpu.memref_slice %arg6[%dma_wait3A_191, %dma_wait3A_192] : memref<1000x128xf32, #tpu.memory_space<vmem_shared>> -> memref<64x128xf32, #tpu.memory_space<vmem_shared>>
    tpu.wait_dma2 semaphore(%arg24 : memref<!tpu.dma_semaphore, #tpu.memory_space<semaphore_mem>>) src(%dma_wait3A_193 : memref<64x128xf32, #tpu.memory_space<vmem_shared>>) dst(%arg14 : memref<64x128xf32, #tpu.memory_space<vmem>>)
    %add3A_194 = arith.constant 802816 : i32
    %add3A_195 = arith.addi %add3A_194, %mul3A_2 : i32
    %add3A_196 = arith.constant 320 : i32
    %add3A_197 = arith.addi %add3A_195, %add3A_196 : i32
    %dma_start3A_198 = arith.constant 0 : i32
    %dma_start3A_199 = tpu.memref_slice %arg4[%add3A_197, %dma_start3A_198] : memref<819200x128xf32, #tpu.memory_space<hbm>> -> memref<64x128xf32, #tpu.memory_space<hbm>>
    %dma_start3A_200 = arith.constant 0 : i32
    %dma_start3A_201 = tpu.memref_slice %arg4[%add3A_197, %dma_start3A_200] : memref<819200x128xf32, #tpu.memory_space<hbm>> -> memref<64x128xf32, #tpu.memory_space<hbm>>
    tpu.enqueue_dma source(%arg14 : memref<64x128xf32, #tpu.memory_space<vmem>>) target(%dma_start3A_201 : memref<64x128xf32, #tpu.memory_space<hbm>>) target_semaphore(%arg34 : memref<!tpu.dma_semaphore, #tpu.memory_space<semaphore_mem>>)
    %dma_wait3A_202 = arith.constant 0 : i32
    %dma_wait3A_203 = arith.constant 0 : i32
    %dma_wait3A_204 = tpu.memref_slice %arg6[%dma_wait3A_202, %dma_wait3A_203] : memref<1000x128xf32, #tpu.memory_space<vmem_shared>> -> memref<64x128xf32, #tpu.memory_space<vmem_shared>>
    %dma_wait3A_205 = arith.constant 0 : i32
    %dma_wait3A_206 = arith.constant 0 : i32
    %dma_wait3A_207 = tpu.memref_slice %arg6[%dma_wait3A_205, %dma_wait3A_206] : memref<1000x128xf32, #tpu.memory_space<vmem_shared>> -> memref<64x128xf32, #tpu.memory_space<vmem_shared>>
    tpu.wait_dma2 semaphore(%arg25 : memref<!tpu.dma_semaphore, #tpu.memory_space<semaphore_mem>>) src(%dma_wait3A_207 : memref<64x128xf32, #tpu.memory_space<vmem_shared>>) dst(%arg15 : memref<64x128xf32, #tpu.memory_space<vmem>>)
    %add3A_208 = arith.constant 802816 : i32
    %add3A_209 = arith.addi %add3A_208, %mul3A_2 : i32
    %add3A_210 = arith.constant 384 : i32
    %add3A_211 = arith.addi %add3A_209, %add3A_210 : i32
    %dma_start3A_212 = arith.constant 0 : i32
    %dma_start3A_213 = tpu.memref_slice %arg4[%add3A_211, %dma_start3A_212] : memref<819200x128xf32, #tpu.memory_space<hbm>> -> memref<64x128xf32, #tpu.memory_space<hbm>>
    %dma_start3A_214 = arith.constant 0 : i32
    %dma_start3A_215 = tpu.memref_slice %arg4[%add3A_211, %dma_start3A_214] : memref<819200x128xf32, #tpu.memory_space<hbm>> -> memref<64x128xf32, #tpu.memory_space<hbm>>
    tpu.enqueue_dma source(%arg15 : memref<64x128xf32, #tpu.memory_space<vmem>>) target(%dma_start3A_215 : memref<64x128xf32, #tpu.memory_space<hbm>>) target_semaphore(%arg35 : memref<!tpu.dma_semaphore, #tpu.memory_space<semaphore_mem>>)
    %dma_wait3A_216 = arith.constant 0 : i32
    %dma_wait3A_217 = arith.constant 0 : i32
    %dma_wait3A_218 = tpu.memref_slice %arg6[%dma_wait3A_216, %dma_wait3A_217] : memref<1000x128xf32, #tpu.memory_space<vmem_shared>> -> memref<64x128xf32, #tpu.memory_space<vmem_shared>>
    %dma_wait3A_219 = arith.constant 0 : i32
    %dma_wait3A_220 = arith.constant 0 : i32
    %dma_wait3A_221 = tpu.memref_slice %arg6[%dma_wait3A_219, %dma_wait3A_220] : memref<1000x128xf32, #tpu.memory_space<vmem_shared>> -> memref<64x128xf32, #tpu.memory_space<vmem_shared>>
    tpu.wait_dma2 semaphore(%arg26 : memref<!tpu.dma_semaphore, #tpu.memory_space<semaphore_mem>>) src(%dma_wait3A_221 : memref<64x128xf32, #tpu.memory_space<vmem_shared>>) dst(%arg16 : memref<64x128xf32, #tpu.memory_space<vmem>>)
    %add3A_222 = arith.constant 802816 : i32
    %add3A_223 = arith.addi %add3A_222, %mul3A_2 : i32
    %add3A_224 = arith.constant 448 : i32
    %add3A_225 = arith.addi %add3A_223, %add3A_224 : i32
    %dma_start3A_226 = arith.constant 0 : i32
    %dma_start3A_227 = tpu.memref_slice %arg4[%add3A_225, %dma_start3A_226] : memref<819200x128xf32, #tpu.memory_space<hbm>> -> memref<64x128xf32, #tpu.memory_space<hbm>>
    %dma_start3A_228 = arith.constant 0 : i32
    %dma_start3A_229 = tpu.memref_slice %arg4[%add3A_225, %dma_start3A_228] : memref<819200x128xf32, #tpu.memory_space<hbm>> -> memref<64x128xf32, #tpu.memory_space<hbm>>
    tpu.enqueue_dma source(%arg16 : memref<64x128xf32, #tpu.memory_space<vmem>>) target(%dma_start3A_229 : memref<64x128xf32, #tpu.memory_space<hbm>>) target_semaphore(%arg36 : memref<!tpu.dma_semaphore, #tpu.memory_space<semaphore_mem>>)
    %add3A_230 = arith.constant 786432 : i32
    %add3A_231 = arith.addi %add3A_230, %mul3A_2 : i32
    %add3A_232 = arith.constant 384 : i32
    %add3A_233 = arith.addi %add3A_231, %add3A_232 : i32
    %dma_wait3A_234 = arith.constant 0 : i32
    %dma_wait3A_235 = tpu.memref_slice %arg4[%add3A_233, %dma_wait3A_234] : memref<819200x128xf32, #tpu.memory_space<hbm>> -> memref<64x128xf32, #tpu.memory_space<hbm>>
    %dma_wait3A_236 = arith.constant 0 : i32
    %dma_wait3A_237 = tpu.memref_slice %arg4[%add3A_233, %dma_wait3A_236] : memref<819200x128xf32, #tpu.memory_space<hbm>> -> memref<64x128xf32, #tpu.memory_space<hbm>>
    tpu.wait_dma2 semaphore(%arg27 : memref<!tpu.dma_semaphore, #tpu.memory_space<semaphore_mem>>) src(%arg7 : memref<64x128xf32, #tpu.memory_space<vmem>>) dst(%dma_wait3A_237 : memref<64x128xf32, #tpu.memory_space<hbm>>)
    %add3A_238 = arith.constant 786432 : i32
    %add3A_239 = arith.addi %add3A_238, %mul3A_2 : i32
    %add3A_240 = arith.constant 448 : i32
    %add3A_241 = arith.addi %add3A_239, %add3A_240 : i32
    %dma_wait3A_242 = arith.constant 0 : i32
    %dma_wait3A_243 = tpu.memref_slice %arg4[%add3A_241, %dma_wait3A_242] : memref<819200x128xf32, #tpu.memory_space<hbm>> -> memref<64x128xf32, #tpu.memory_space<hbm>>
    %dma_wait3A_244 = arith.constant 0 : i32
    %dma_wait3A_245 = tpu.memref_slice %arg4[%add3A_241, %dma_wait3A_244] : memref<819200x128xf32, #tpu.memory_space<hbm>> -> memref<64x128xf32, #tpu.memory_space<hbm>>
    tpu.wait_dma2 semaphore(%arg28 : memref<!tpu.dma_semaphore, #tpu.memory_space<semaphore_mem>>) src(%arg8 : memref<64x128xf32, #tpu.memory_space<vmem>>) dst(%dma_wait3A_245 : memref<64x128xf32, #tpu.memory_space<hbm>>)
    %add3A_246 = arith.constant 802816 : i32
    %add3A_247 = arith.addi %add3A_246, %mul3A_2 : i32
    %add3A_248 = arith.constant 0 : i32
    %add3A_249 = arith.addi %add3A_247, %add3A_248 : i32
    %dma_wait3A_250 = arith.constant 0 : i32
    %dma_wait3A_251 = tpu.memref_slice %arg4[%add3A_249, %dma_wait3A_250] : memref<819200x128xf32, #tpu.memory_space<hbm>> -> memref<64x128xf32, #tpu.memory_space<hbm>>
    %dma_wait3A_252 = arith.constant 0 : i32
    %dma_wait3A_253 = tpu.memref_slice %arg4[%add3A_249, %dma_wait3A_252] : memref<819200x128xf32, #tpu.memory_space<hbm>> -> memref<64x128xf32, #tpu.memory_space<hbm>>
    tpu.wait_dma2 semaphore(%arg29 : memref<!tpu.dma_semaphore, #tpu.memory_space<semaphore_mem>>) src(%arg9 : memref<64x128xf32, #tpu.memory_space<vmem>>) dst(%dma_wait3A_253 : memref<64x128xf32, #tpu.memory_space<hbm>>)
    %add3A_254 = arith.constant 802816 : i32
    %add3A_255 = arith.addi %add3A_254, %mul3A_2 : i32
    %add3A_256 = arith.constant 64 : i32
    %add3A_257 = arith.addi %add3A_255, %add3A_256 : i32
    %dma_wait3A_258 = arith.constant 0 : i32
    %dma_wait3A_259 = tpu.memref_slice %arg4[%add3A_257, %dma_wait3A_258] : memref<819200x128xf32, #tpu.memory_space<hbm>> -> memref<64x128xf32, #tpu.memory_space<hbm>>
    %dma_wait3A_260 = arith.constant 0 : i32
    %dma_wait3A_261 = tpu.memref_slice %arg4[%add3A_257, %dma_wait3A_260] : memref<819200x128xf32, #tpu.memory_space<hbm>> -> memref<64x128xf32, #tpu.memory_space<hbm>>
    tpu.wait_dma2 semaphore(%arg30 : memref<!tpu.dma_semaphore, #tpu.memory_space<semaphore_mem>>) src(%arg10 : memref<64x128xf32, #tpu.memory_space<vmem>>) dst(%dma_wait3A_261 : memref<64x128xf32, #tpu.memory_space<hbm>>)
    %add3A_262 = arith.constant 802816 : i32
    %add3A_263 = arith.addi %add3A_262, %mul3A_2 : i32
    %add3A_264 = arith.constant 128 : i32
    %add3A_265 = arith.addi %add3A_263, %add3A_264 : i32
    %dma_wait3A_266 = arith.constant 0 : i32
    %dma_wait3A_267 = tpu.memref_slice %arg4[%add3A_265, %dma_wait3A_266] : memref<819200x128xf32, #tpu.memory_space<hbm>> -> memref<64x128xf32, #tpu.memory_space<hbm>>
    %dma_wait3A_268 = arith.constant 0 : i32
    %dma_wait3A_269 = tpu.memref_slice %arg4[%add3A_265, %dma_wait3A_268] : memref<819200x128xf32, #tpu.memory_space<hbm>> -> memref<64x128xf32, #tpu.memory_space<hbm>>
    tpu.wait_dma2 semaphore(%arg31 : memref<!tpu.dma_semaphore, #tpu.memory_space<semaphore_mem>>) src(%arg11 : memref<64x128xf32, #tpu.memory_space<vmem>>) dst(%dma_wait3A_269 : memref<64x128xf32, #tpu.memory_space<hbm>>)
    %add3A_270 = arith.constant 802816 : i32
    %add3A_271 = arith.addi %add3A_270, %mul3A_2 : i32
    %add3A_272 = arith.constant 192 : i32
    %add3A_273 = arith.addi %add3A_271, %add3A_272 : i32
    %dma_wait3A_274 = arith.constant 0 : i32
    %dma_wait3A_275 = tpu.memref_slice %arg4[%add3A_273, %dma_wait3A_274] : memref<819200x128xf32, #tpu.memory_space<hbm>> -> memref<64x128xf32, #tpu.memory_space<hbm>>
    %dma_wait3A_276 = arith.constant 0 : i32
    %dma_wait3A_277 = tpu.memref_slice %arg4[%add3A_273, %dma_wait3A_276] : memref<819200x128xf32, #tpu.memory_space<hbm>> -> memref<64x128xf32, #tpu.memory_space<hbm>>
    tpu.wait_dma2 semaphore(%arg32 : memref<!tpu.dma_semaphore, #tpu.memory_space<semaphore_mem>>) src(%arg12 : memref<64x128xf32, #tpu.memory_space<vmem>>) dst(%dma_wait3A_277 : memref<64x128xf32, #tpu.memory_space<hbm>>)
    %add3A_278 = arith.constant 802816 : i32
    %add3A_279 = arith.addi %add3A_278, %mul3A_2 : i32
    %add3A_280 = arith.constant 256 : i32
    %add3A_281 = arith.addi %add3A_279, %add3A_280 : i32
    %dma_wait3A_282 = arith.constant 0 : i32
    %dma_wait3A_283 = tpu.memref_slice %arg4[%add3A_281, %dma_wait3A_282] : memref<819200x128xf32, #tpu.memory_space<hbm>> -> memref<64x128xf32, #tpu.memory_space<hbm>>
    %dma_wait3A_284 = arith.constant 0 : i32
    %dma_wait3A_285 = tpu.memref_slice %arg4[%add3A_281, %dma_wait3A_284] : memref<819200x128xf32, #tpu.memory_space<hbm>> -> memref<64x128xf32, #tpu.memory_space<hbm>>
    tpu.wait_dma2 semaphore(%arg33 : memref<!tpu.dma_semaphore, #tpu.memory_space<semaphore_mem>>) src(%arg13 : memref<64x128xf32, #tpu.memory_space<vmem>>) dst(%dma_wait3A_285 : memref<64x128xf32, #tpu.memory_space<hbm>>)
    %add3A_286 = arith.constant 802816 : i32
    %add3A_287 = arith.addi %add3A_286, %mul3A_2 : i32
    %add3A_288 = arith.constant 320 : i32
    %add3A_289 = arith.addi %add3A_287, %add3A_288 : i32
    %dma_wait3A_290 = arith.constant 0 : i32
    %dma_wait3A_291 = tpu.memref_slice %arg4[%add3A_289, %dma_wait3A_290] : memref<819200x128xf32, #tpu.memory_space<hbm>> -> memref<64x128xf32, #tpu.memory_space<hbm>>
    %dma_wait3A_292 = arith.constant 0 : i32
    %dma_wait3A_293 = tpu.memref_slice %arg4[%add3A_289, %dma_wait3A_292] : memref<819200x128xf32, #tpu.memory_space<hbm>> -> memref<64x128xf32, #tpu.memory_space<hbm>>
    tpu.wait_dma2 semaphore(%arg34 : memref<!tpu.dma_semaphore, #tpu.memory_space<semaphore_mem>>) src(%arg14 : memref<64x128xf32, #tpu.memory_space<vmem>>) dst(%dma_wait3A_293 : memref<64x128xf32, #tpu.memory_space<hbm>>)
    %add3A_294 = arith.constant 802816 : i32
    %add3A_295 = arith.addi %add3A_294, %mul3A_2 : i32
    %add3A_296 = arith.constant 384 : i32
    %add3A_297 = arith.addi %add3A_295, %add3A_296 : i32
    %dma_wait3A_298 = arith.constant 0 : i32
    %dma_wait3A_299 = tpu.memref_slice %arg4[%add3A_297, %dma_wait3A_298] : memref<819200x128xf32, #tpu.memory_space<hbm>> -> memref<64x128xf32, #tpu.memory_space<hbm>>
    %dma_wait3A_300 = arith.constant 0 : i32
    %dma_wait3A_301 = tpu.memref_slice %arg4[%add3A_297, %dma_wait3A_300] : memref<819200x128xf32, #tpu.memory_space<hbm>> -> memref<64x128xf32, #tpu.memory_space<hbm>>
    tpu.wait_dma2 semaphore(%arg35 : memref<!tpu.dma_semaphore, #tpu.memory_space<semaphore_mem>>) src(%arg15 : memref<64x128xf32, #tpu.memory_space<vmem>>) dst(%dma_wait3A_301 : memref<64x128xf32, #tpu.memory_space<hbm>>)
    %add3A_302 = arith.constant 802816 : i32
    %add3A_303 = arith.addi %add3A_302, %mul3A_2 : i32
    %add3A_304 = arith.constant 448 : i32
    %add3A_305 = arith.addi %add3A_303, %add3A_304 : i32
    %dma_wait3A_306 = arith.constant 0 : i32
    %dma_wait3A_307 = tpu.memref_slice %arg4[%add3A_305, %dma_wait3A_306] : memref<819200x128xf32, #tpu.memory_space<hbm>> -> memref<64x128xf32, #tpu.memory_space<hbm>>
    %dma_wait3A_308 = arith.constant 0 : i32
    %dma_wait3A_309 = tpu.memref_slice %arg4[%add3A_305, %dma_wait3A_308] : memref<819200x128xf32, #tpu.memory_space<hbm>> -> memref<64x128xf32, #tpu.memory_space<hbm>>
    tpu.wait_dma2 semaphore(%arg36 : memref<!tpu.dma_semaphore, #tpu.memory_space<semaphore_mem>>) src(%arg16 : memref<64x128xf32, #tpu.memory_space<vmem>>) dst(%dma_wait3A_309 : memref<64x128xf32, #tpu.memory_space<hbm>>)
    return
  }
}

</mosaic_0001>

<sc_bundles>
// kernel: kernel.3.cloned.1.call-start
scs
__scs_entry_jumppad:
0x0: {  	(pc) =	sbr.rel $0x88, $3  }
0x1: {  	(tag) =	ssettag $0x0;
	lr =	simm.s32 $0x1  }
0x2: {  	[smem:$0x3F9F] =	sst lr;
	_ =	strace $0xD0000000  }
0x3: {  	_ = 	snop  }
0x4: {  	_ = 	snop  }
0x5: {  	_ = 	snop  }
0x6: {  	_ = 	snop  }
0x7: {  	_ = 	snop  }
__scs_overlays_trampoline_lowered:
0x8: {  	[smem:$0x3FAE] =	sst s0  }
0x9: {  	[smem:$0x3FAF] =	sst s1  }
0xa: {  	[smem:$0x3FB0] =	sst s2  }
0xb: {  	[smem:$0x3FB1] =	sst s3  }
0xc: {  	[smem:$0x3FB2] =	sst s4  }
0xd: {  	[smem:$0x3FB3] =	sst s5  }
0xe: {  	[smem:$0x3FB4] =	sst s6  }
0xf: {  	[smem:$0x3FB5] =	sst s7  }
0x10: {  	[smem:$0x3FB6] =	sst s8  }
0x11: {  	[smem:$0x3FB7] =	sst s9;
	s0 =	simm.s32 @!p0 $0x0  }
0x12: {  	s1 =	sld [smem:$0x3F9D];
	s0 =	simm.s32 @p0 $0x1  }
0x13: {  	[smem:$0x3FB8] =	sst s0;
	s0 =	simm.s32 @!p1 $0x0  }
0x14: {  	s2 =	sld [smem:$0x3F9C];
	s0 =	simm.s32 @p1 $0x1  }
0x15: {  	[smem:$0x3FB9] =	sst s0;
	s0 =	simm.s32 @!p2 $0x0  }
0x16: {  	s3 =	sld [smem:$0x3FDB];
	s0 =	simm.s32 @p2 $0x1  }
0x17: {  	s4 =	simm.s32 $0x1BF5;
	[smem:$0x3FBB] =	sst s0  }
0x18: {  	s0 =	sld [smem:$0x3F9E];
	_ =	swait.ge [sflag:s4], $0x0  }
0x19: {  	s7 =	sld [smem:$0x3F9F]  }
0x1a: {  	s8 =	sadd.s32 $0xFFFFE003, lr  }
0x1b: {  	s9 =	sadd.s32 $0xFFFFFEF7, lr;
	s5 =	simm.s32 $0xFFFFFFFF;
	p2 =	slt.u32 s8, $0xFFFFF086  }
0x1c: {  	p1 =	slt.u32 s9, $0xF7A;
	s5 =	simm.s32 @!p2 $0x0  }
0x1d: {  	s5 =	simm.s32 @p1 $0x1;
	p0 =	seq.s32 s7, s2  }
0x1e: {  	s7 =	smul.u32 @!p0 $0xF7A, s2;
	p2 =	seq.s32 @!p0 s5, $0x0  }
0x1f: {  	s9 =	smul.u32 $0xF7A, s1;
	s8 =	simm.s32 @!p0 $0x1BF5;
	p2 =	por !p2, p0  }
0x20: {  	[sflag:s8] =	ssyncset.s32 @!p0 $0xFFFFF086;
	s6 =	sadd.s32 @!p0 s3, s7;
	s7 =	simm.s32 @!p0 $0x108  }
0x21: {  	s3 =	sadd.s32 s3, s9;
	s6 =	sadd.s32 @!p0 $0x88, s6;
	s7 =	simm.s32 @p2 $0x1082  }
0x22: {  	[simem:s7], [sflag:s8] =	dma.local @!p0 [hbm:s6], $0xF7A  }
0x23: {  	s9 =	sor.u32 $0xD0000000, s2;
	s6 =	simm.s32 $0x108;
	_ =	swait.ge @!p0 [sflag:s8], $0x0  }
0x24: {  	s3 =	sadd.s32 $0x88, s3;
	s6 =	simm.s32 @!p1 $0x1082;
	[sflag:s4] =	ssyncset.s32 $0xFFFFF086  }
0x25: {  	[simem:s6], [sflag:s4] =	dma.local [hbm:s3], $0xF7A  }
0x26: {  	[smem:$0x3F9F] =	sst s1;
	(tag) =	ssettag s2;
	_ =	strace s9  }
0x27: {  	s1 =	sld [smem:$0x3FAF]  }
0x28: {  	s2 =	sld [smem:$0x3FB0]  }
0x29: {  	s4 =	sld [smem:$0x3FB2]  }
0x2a: {  	p0 =	seq.s32 s5, $0x0;
	s5 =	sld [smem:$0x3FB3]  }
0x2b: {  	s6 =	sld [smem:$0x3FB4]  }
0x2c: {  	s7 =	sld [smem:$0x3FB5]  }
0x2d: {  	s3 =	simm.s32 $0x108;
	s8 =	sld [smem:$0x3FB6]  }
0x2e: {  	s3 =	simm.s32 @!p0 $0x1082;
	s9 =	sld [smem:$0x3FB7]  }
0x2f: {  	lr =	sadd.s32 s0, s3;
	s0 =	sld [smem:$0x3FAE]  }
0x30: {  	s3 =	sld [smem:$0x3FB1]  }
0x31: {  	[smem:$0x3FBA] =	sst s10  }
0x32: {  	s10 =	sld [smem:$0x3FB8];
	_ =	sdelay $0x3  }
0x33: {  	p0 =	seq.s32 s10, $0x1;
	s10 =	sld [smem:$0x3FBA];
	_ =	sdelay $0x3  }
0x34: {  	[smem:$0x3FBA] =	sst s10  }
0x35: {  	s10 =	sld [smem:$0x3FB9];
	_ =	sdelay $0x3  }
0x36: {  	p1 =	seq.s32 s10, $0x1;
	s10 =	sld [smem:$0x3FBA];
	_ =	sdelay $0x3  }
0x37: {  	[smem:$0x3FBA] =	sst s10  }
0x38: {  	s10 =	sld [smem:$0x3FBB]  }
0x39: {  	_ = 	snop;
	(pc) =	sbr.ind lr, $3  }
0x3a: {  	_ = 	snop  }
0x3b: {  	_ = 	snop  }
0x3c: {  	p2 =	seq.s32 s10, $0x1;
	s10 =	sld [smem:$0x3FBA]  }
0x3d: {  	_ =	shalt  }
0x3e: {  	_ =	shalt  }
0x3f: {  	_ =	shalt  }
0x40: {  	_ =	shalt  }
0x41: {  	_ =	shalt  }
0x42: {  	_ =	shalt  }
0x43: {  	_ =	shalt  }
0x44: {  	_ =	shalt  }
0x45: {  	_ =	shalt  }
0x46: {  	_ =	shalt  }
0x47: {  	_ =	shalt  }
0x48: {  	_ =	shalt  }
0x49: {  	_ =	shalt  }
0x4a: {  	_ =	shalt  }
0x4b: {  	_ =	shalt  }
0x4c: {  	_ =	shalt  }
0x4d: {  	_ =	shalt  }
0x4e: {  	_ =	shalt  }
0x4f: {  	_ =	shalt  }
0x50: {  	_ =	shalt  }
0x51: {  	_ =	shalt  }
0x52: {  	_ =	shalt  }
0x53: {  	_ =	shalt  }
0x54: {  	_ =	shalt  }
0x55: {  	_ =	shalt  }
0x56: {  	_ =	shalt  }
0x57: {  	_ =	shalt  }
0x58: {  	_ =	shalt  }
0x59: {  	_ =	shalt  }
0x5a: {  	_ =	shalt  }
0x5b: {  	_ =	shalt  }
0x5c: {  	_ =	shalt  }
0x5d: {  	_ =	shalt  }
0x5e: {  	_ =	shalt  }
0x5f: {  	_ =	shalt  }
0x60: {  	_ =	shalt  }
0x61: {  	_ =	shalt  }
0x62: {  	_ =	shalt  }
0x63: {  	_ =	shalt  }
0x64: {  	_ =	shalt  }
0x65: {  	_ =	shalt  }
0x66: {  	_ =	shalt  }
0x67: {  	_ =	shalt  }
0x68: {  	_ =	shalt  }
0x69: {  	_ =	shalt  }
0x6a: {  	_ =	shalt  }
0x6b: {  	_ =	shalt  }
0x6c: {  	_ =	shalt  }
0x6d: {  	_ =	shalt  }
0x6e: {  	_ =	shalt  }
0x6f: {  	_ =	shalt  }
0x70: {  	_ =	shalt  }
0x71: {  	_ =	shalt  }
0x72: {  	_ =	shalt  }
0x73: {  	_ =	shalt  }
0x74: {  	_ =	shalt  }
0x75: {  	_ =	shalt  }
0x76: {  	_ =	shalt  }
0x77: {  	_ =	shalt  }
0x78: {  	_ =	shalt  }
0x79: {  	_ =	shalt  }
0x7a: {  	_ =	shalt  }
0x7b: {  	_ =	shalt  }
0x7c: {  	_ =	shalt  }
0x7d: {  	_ =	shalt  }
0x7e: {  	_ =	shalt  }
0x7f: {  	_ =	shalt  }
0x80: {  	_ =	shalt  }
0x81: {  	_ =	shalt  }
0x82: {  	_ =	shalt  }
0x83: {  	_ =	shalt  }
0x84: {  	_ =	shalt  }
0x85: {  	_ =	shalt  }
0x86: {  	_ =	shalt  }
0x87: {  	_ =	shalt  }
.Lfunc_end0:
.L_simem_size_0:
called_computation_lowered:
.L_overlay_start_0:
0x88: {  	s2 =	sld [smem:$0x3FD9]  }
0x89: {  	s3 =	sld [smem:$0x3FFE];
	_ =	sdelay $0x1  }
0x8a: {  	s1 =	srdreg.scid  }
0x8b: {  	s0 =	sand.u32 $0x1, s1  }
0x8c: {  	s18 =	sshll.u32 s0, $0xA;
	s2 =	sadd.s32 s3, s2  }
0x8d: {  	s2 =	sadd.s32 s2, s18  }
0x8e: {  	[smem:$0x3FC6] =	sst s2  }
0x8f: {  	_ = 	snop  }
0x90: {  	s2 =	sld [smem:$0x3FC9]  }
0x91: {  	s19 =	sld [smem:$0x3FC8]  }
0x92: {  	s4 =	sld [smem:$0x3FD0];
	(tm) =	ssettm $0x1  }
0x93: {  	s5 =	sld [smem:$0x3FFB];
	_ =	sdelay $0x3  }
0x94: {  	_ =	strace s5  }
0x95: {  	s5 =	sld [smem:$0x3FFC];
	_ =	sdelay $0x3  }
0x96: {  	_ =	strace s5  }
0x97: {  	s5 =	sld [smem:$0x3FFD];
	_ =	sdelay $0x3  }
0x98: {  	_ =	strace s5  }
0x99: {  	_ =	strace $0x8FFFFFFF  }
0x9a: {  	s20 =	sld [smem:$0x3FDB];
	_ =	sdelay $0x1  }
0x9b: {  	s6 =	simm.s32 $_scs_section_size  }
0x9c: {  	s7 =	simm.s32 $_size__tile_overlayer_lowered;
	s8 =	simm.s32 $_tile_overlayer_lowered  }
0x9d: {  	s23 =	simm.s32 $0x1BFF;
	s22 =	sshll.u32 s8, $0x1;
	s5 =	sadd.s32 s6, s20  }
0x9e: {  	s9 =	simm.s32 $0x0;
	s21 =	sshll.u32 s7, $0x1;
	s7 =	sadd.s32 s22, s5  }
0x9f: {  	[timem:s9], [sflag:s23] =	dma.local [hbm:s7], s21  }
0xa0: {  	_ =	swait.ge [sflag:s23], s21  }
0xa1: {  	s6 =	ssub.s32 $0x0, s21;
	[sflag:s23] =	ssyncset.done $0x0  }
0xa2: {  	[sflag:s23] =	ssyncadd.s32 s6;
	_ =	sdelay $0x1  }
0xa3: {  	s24 =	simm.s32 $0x1B8B  }
0xa4: {  	_ =	swait.ge [sflag:s24], $0x1  }
0xa5: {  	[sflag:s24] =	ssyncset.done $0x0  }
0xa6: {  	s25 =	simm.s32 $0x1B8E;
	[sflag:s24] =	ssyncadd.s32 $0xFFFFFFFF  }
0xa7: {  	s26 =	simm.s32 $execute0_lowered;
	[smem:$0x3FD2] =	sst s25  }
0xa8: {  	s6 =	sshll.u32 s26, $0x1;
	_ =	strace $0x80000046;
	[dreg:$0x1] =	wrdreg $0xFFFFFFFF  }
0xa9: {  	s28 =	simm.s32 $_size_execute0_lowered;
	s5 =	sadd.s32 s5, s6;
	[dreg:$0x0] =	wrdreg $0x0  }
0xaa: {  	s6 =	sshll.u32 s28, $0x1;
	[dreg:$0x2] =	wrdreg s5  }
0xab: {  	[dreg:$0x3] =	wrdreg s6  }
0xac: {  	[dreg:$0x4] =	wrdreg $0xC0  }
0xad: {  	_ =	task [dreg:s9], $0x5FFFF  }
0xae: {  	[dreg:$0x1] =	wrdreg $0xFFFFFFFF  }
0xaf: {  	[dreg:$0x0] =	wrdreg $0x60  }
0xb0: {  	[dreg:$0x2] =	wrdreg s2  }
0xb1: {  	[dreg:$0x3] =	wrdreg s19  }
0xb2: {  	[dreg:$0x4] =	wrdreg s4  }
0xb3: {  	[dreg:$0x5] =	wrdreg $0x70000  }
0xb4: {  	[dreg:$0x6] =	wrdreg $0x9  }
0xb5: {  	_ =	task.clear_ibuf [dreg:s9], $0x7FFFF;
	_ =	strace $0x90000046  }
0xb6: {  	s29 =	simm.s32 $0x9;
	_ =	strace $0x80000048  }
0xb7: {  	_ =	swait.ge [sflag:s29], $0x1  }
0xb8: {  	[sflag:s29] =	ssyncadd.s32 $0xFFFFFFFF  }
0xb9: {  	_ =	strace $0x90000048  }
0xba: {  	_ =	sfence  }
0xbb: {  	s30 =	sld [smem:$0x0];
	_ =	sdelay $0x2  }
0xbc: {  	s31 =	sshll.u32 s1, $0xD;
	s1 =	sshrl.u32 s1, $0x2  }
0xbd: {  	s3 =	sand.u32 $0x4000, s31;
	s1 =	sadd.s32 s1, s30  }
0xbe: {  	s0 =	sor.u32 s3, s0;
	s1 =	sshll.u32 s1, $0x11  }
0xbf: {  	s0 =	sor.u32 s1, s0  }
0xc0: {  	s0 =	sadd.s32 $0x8F2B, s0  }
0xc1: {  	[sflag:s0] =	ssyncadd.remote.s32 $0x1  }
0xc2: {  	_ =	sfence.sel $0xFFFF  }
0xc3: {  	[dreg:$0x0] =	wrdreg $0xFFFFFFFF;
	(pc) =	sbr.abs _section_cstart, $3  }
0xc4: {  	[dreg:$0x1] =	wrdreg $0xFFFFFFFF  }
0xc5: {  	_ =	task.clear_ibuf [dreg:s9], $0x2FFFF;
	_ =	strace $0x9FFFFFFF  }
0xc6: {  	(tm) =	ssettm $0x7FFFFFFF  }
0xc7: {  	_ =	shalt  }
tec
execute0_lowered:
.L_overlay_start_1:
0x0: {  	(tag) =	ssettag $0x1  }
0x1: {  	s0 =	rddreg [dreg:$0x0]  }
0x2: {  	s1 =	rddreg [dreg:$0x1]  }
0x3: {  	s4 =	rddreg [dreg:$0x2]  }
0x4: {  	s22 =	rddreg [dreg:$0x3]  }
0x5: {  	s5 =	srdreg.scid;
	s9 =	simm.s32 $0x0;
	s2 =	stileid.u32  }
0x6: {  	s5 =	sand.u32 $0x1, s5;
	s7 =	sshll.u32 s2, $0xA;
	[smem:$0x7FF] =	sst s9  }
0x7: {  	s9 =	sadd.s32 $0x1C000, s22;
	s10 =	sadd.s32 $0x3800, s1;
	s16 =	sshll.u32 s2, $0xE  }
0x8: {  	s11 =	sshll.u32 s2, $0xB;
	p0 =	sgt.u32 s2, $0x6;
	s6 =	ssub.s32 $0x2, s5  }
0x9: {  	s8 =	sshll.u32 s5, $0x9;
	_ =	strace $0x80000047;
	[dreg:$0x5] =	wrdreg s10  }
0xa: {  	s1 =	sadd.s32 s1, s11;
	s29 =	sadd.s32 s16, s4;
	s30 =	sshll.u32 s5, $0xD  }
0xb: {  	p1 =	sne.s32 @p0 s2, $0x7;
	s15 =	sshrl.u32 s6, $0x1;
	s7 =	sor.u32 s8, s7  }
0xc: {  	[dreg:$0xf] =	wrdreg s1;
	s1 =	sadd.s32 s30, s29;
	p1 =	por p1, !p0  }
0xd: {  	s6 =	ssub.s32 s6, s15;
	s0 =	sadd.s32 s0, s7;
	[dreg:$0x13] =	wrdreg s1  }
0xe: {  	s1 =	sshll.u32 @!p0 s2, $0x6;
	s2 =	sshrl.u32 @!p1 s9, $0x3;
	[dreg:$0x7] =	wrdreg s0  }
0xf: {  	s8 =	sshll.u32 s7, $0x4;
	s31 =	smax.u32 s6, $0x1;
	[dreg:$0x14] =	wrdreg s2  }
0x10: {  	s8 =	sadd.s32 s8, s4;
	s1 =	sor.u32 @!p0 $0x1C16, s1;
	[dreg:$0x12] =	wrdreg s31  }
0x11: {  	s12 =	sadd.s32 $0xC01800, s8;
	[dreg:$0x15] =	wrdreg s1  }
0x12: {  	s17 =	sadd.s32 $0xC01C00, s8;
	[dreg:$0x6] =	wrdreg s12  }
0x13: {  	s18 =	sadd.s32 $0xC40400, s8;
	[dreg:$0x8] =	wrdreg s17  }
0x14: {  	s19 =	sadd.s32 $0xC40800, s8;
	[dreg:$0x9] =	wrdreg s18  }
0x15: {  	s20 =	sadd.s32 $0xC40C00, s8;
	[dreg:$0xa] =	wrdreg s19  }
0x16: {  	s21 =	sadd.s32 $0xC40000, s8;
	[dreg:$0xb] =	wrdreg s20  }
0x17: {  	s23 =	sadd.s32 $0xC41000, s8;
	[dreg:$0xc] =	wrdreg s21  }
0x18: {  	s24 =	sadd.s32 $0xC41400, s8;
	[dreg:$0xd] =	wrdreg s23  }
0x19: {  	s28 =	simm.s32 $0x18F40;
	s25 =	sadd.s32 $0xC41800, s8;
	[dreg:$0xe] =	wrdreg s24  }
0x1a: {  	s0 =	sadd.s32 s16, s22;
	s26 =	sadd.s32 $0xC41C00, s8;
	[dreg:$0x10] =	wrdreg s25  }
0x1b: {  	s2 =	simm.s32 $0x0;
	s0 =	sshrl.u32 @!p0 s0, $0x3;
	[dreg:$0x11] =	wrdreg s26  }
0x1c: {  	[dreg:$0x16] =	wrdreg s0;
	s19 =	simm.s32 $0x40;
	s25 =	simm.s32 $0x1AF40  }
.LBB2_1:
0x1d: {  	[dreg:$0x17] =	wrdreg s2  }
0x1e: {  	s1 =	simm.s32 $0x0;
	s0 =	rddreg [dreg:$0x7]  }
0x1f: {  	s5 =	simm.s32 $0x1000;
	s4 =	simm.s32 $0x20000;
	s2 =	rddreg [dreg:$0x5]  }
0x20: {  	[tilespmem:s1], [sflag:$0x15] =	stream.strided.gather [hbm4b:s0+s5], $0x7000, s4, s5, $0x38;
	[tilespmem:$0x1CF40] =	vst v63  }
0x21: {  	s0 =	simm.s32 @!p1 $0x1DD6;
	s4 =	rddreg [dreg:$0x14]  }
0x22: {  	[spmem:s4], [sflag:s0] =	dma.local @!p1 [hbm:s2], $0x680  }
0x23: {  	s0 =	simm.s32 @!p1 $0x16  }
0x24: {  	_ =	swait.ge @!p1 [sflag:s0], $0x680  }
0x25: {  	s2 =	rddreg [dreg:$0x15]  }
0x26: {  	[sflag:s0] =	ssyncset.done @!p1 $0x0;
	s4 =	rddreg [dreg:$0x16]  }
0x27: {  	[sflag:s0] =	ssyncadd.s32 @!p1 $0xFFFFF980;
	s0 =	rddreg [dreg:$0xf]  }
0x28: {  	[spmem:s4], [sflag:s2] =	dma.local @!p0 [hbm:s0], $0x800  }
0x29: {  	s0 =	simm.s32 @!p0 $0x16  }
0x2a: {  	s6 =	simm.s32 $0x15;
	_ =	swait.ge @!p0 [sflag:s0], $0x800  }
0x2b: {  	s7 =	simm.s32 $0x8F40;
	s8 =	simm.s32 $0xAF40;
	[sflag:s0] =	ssyncset.done @!p0 $0x0  }
0x2c: {  	s9 =	simm.s32 $0x400;
	s10 =	simm.s32 $0xCF40;
	[sflag:s0] =	ssyncadd.s32 @!p0 $0xFFFFF800  }
0x2d: {  	s11 =	simm.s32 $0x440;
	s12 =	simm.s32 $0xEF40;
	_ =	swait.ge [sflag:s6], $0x7000  }
0x2e: {  	s13 =	simm.s32 $0x800;
	s14 =	simm.s32 $0x10F40;
	[sflag:s6] =	ssyncset.done $0x0  }
0x2f: {  	s15 =	simm.s32 $0x840;
	s16 =	simm.s32 $0x12F40;
	[sflag:s6] =	ssyncadd.s32 $0xFFFF9000  }
0x30: {  	s17 =	simm.s32 $0xC00;
	s18 =	simm.s32 $0x14F40;
	[bflag:$0x0] =	sbarrier.arrive $0xFFFF  }
0x31: {  	[tilespmem:s7], [sflag:$0x1] =	stream.indirect.gather [spmem:s22], $0x80, s1, s19, $0xb8;
	[tilespmem:$0x1CF40] =	vst v63  }
0x32: {  	s20 =	simm.s32 $0xC40;
	s21 =	simm.s32 $0x16F40;
	s23 =	simm.s32 $0x80  }
0x33: {  	[tilespmem:s8], [sflag:$0x2] =	stream.indirect.gather [spmem:s22], $0x80, s19, s19, $0xb8;
	[tilespmem:$0x1CF40] =	vst v63  }
0x34: {  	s24 =	simm.s32 $0xC0;
	s30 =	simm.s32 $0x2600;
	s29 =	simm.s32 $0x2400  }
0x35: {  	[tilespmem:s10], [sflag:$0x3] =	stream.indirect.gather [spmem:s22], $0x80, s9, s19, $0xb8;
	[tilespmem:$0x1CF40] =	vst v63  }
0x36: {  	s31 =	simm.s32 $0x1800;
	s26 =	simm.s32 $0x11;
	s5 =	simm.s32 $0x3  }
0x37: {  	[tilespmem:s12], [sflag:$0x4] =	stream.indirect.gather [spmem:s22], $0x80, s11, s19, $0xb8;
	[tilespmem:$0x1CF40] =	vst v63  }
0x38: {  	s4 =	simm.s32 $0x2;
	s0 =	simm.s32 $0xF;
	s6 =	simm.s32 $0x4  }
0x39: {  	[tilespmem:s14], [sflag:$0x5] =	stream.indirect.gather [spmem:s22], $0x80, s13, s19, $0xb8;
	[tilespmem:$0x1CF40] =	vst v63  }
0x3a: {  	s1 =	simm.s32 $0x1C00;
	s7 =	simm.s32 $0x5;
	[dreg:$0x1a] =	wrdreg s26  }
0x3b: {  	[tilespmem:s16], [sflag:$0x6] =	stream.indirect.gather [spmem:s22], $0x80, s15, s19, $0xb8;
	[tilespmem:$0x1CF40] =	vst v63  }
0x3c: {  	s8 =	simm.s32 $0x6;
	s9 =	simm.s32 $0x7;
	s10 =	simm.s32 $0x8  }
0x3d: {  	[tilespmem:s18], [sflag:$0x7] =	stream.indirect.gather [spmem:s22], $0x80, s17, s19, $0xb8;
	[tilespmem:$0x1CF40] =	vst v63  }
0x3e: {  	s12 =	simm.s32 $0x9;
	s11 =	simm.s32 $0xA;
	s14 =	simm.s32 $0xB  }
0x3f: {  	[tilespmem:s21], [sflag:$0x8] =	stream.indirect.gather [spmem:s22], $0x80, s20, s19, $0xb8;
	[tilespmem:$0x1CF40] =	vst v63  }
0x40: {  	s13 =	simm.s32 $0xC;
	s16 =	simm.s32 $0xD;
	s15 =	simm.s32 $0xE  }
0x41: {  	[tilespmem:s28], [sflag:$0x9] =	stream.indirect.gather [spmem:s22], $0x80, s23, s19, $0xb8;
	[tilespmem:$0x1CF40] =	vst v63  }
0x42: {  	s17 =	simm.s32 $0x10;
	s28 =	simm.s32 $0x13;
	s23 =	rddreg [dreg:$0x13]  }
0x43: {  	[tilespmem:s25], [sflag:$0xA] =	stream.indirect.gather [spmem:s22], $0x80, s24, s19, $0xb8;
	[tilespmem:$0x1CF40] =	vst v63  }
0x44: {  	s20 =	simm.s32 $0x1400;
	[dreg:$0x1c] =	wrdreg s28;
	s25 =	simm.s32 $0x2000  }
0x45: {  	s21 =	simm.s32 $0x12;
	s24 =	simm.s32 $0x0;
	[dreg:$0x19] =	wrdreg s25  }
.LBB2_2:
0x46: {  	[dreg:$0x1b] =	wrdreg s0  }
0x47: {  	[dreg:$0x18] =	wrdreg s29;
	s26 =	sshrl.u32 s24, $0x3;
	s2 =	simm.s32 $0x1  }
0x48: {  	s26 =	smul.u32 $0x3E000, s26;
	_ =	swait.ge [sflag:s2], $0x2000  }
0x49: {  	s19 =	simm.s32 $0x0;
	s3 =	simm.s32 $0x8F40;
	[sflag:s2] =	ssyncset.done $0x0  }
0x4a: {  	s18 =	simm.s32 $0x2;
	[sflag:s2] =	ssyncadd.s32 $0xFFFFE000;
	s26 =	sadd.s32 s26, s23  }
0x4b: {  	[hbm4b:s26+s19] =	stream.linear.scatter [tilespmem:s3], [sflag:$0xB], $0x2000, $0x38;
	[tilespmem:$0x1CF40] =	vst v63  }
0x4c: {  	s28 =	sshrl.u32 s4, $0x3;
	_ =	swait.ge [sflag:s18], $0x2000  }
0x4d: {  	s25 =	simm.s32 $0xAF40;
	s28 =	smul.u32 $0x3E000, s28;
	[sflag:s18] =	ssyncset.done $0x0  }
0x4e: {  	s26 =	sadd.s32 $0x400, s26;
	s3 =	simm.s32 $0x3;
	[sflag:s18] =	ssyncadd.s32 $0xFFFFE000  }
0x4f: {  	[hbm4b:s26+s19] =	stream.linear.scatter [tilespmem:s25], [sflag:$0xC], $0x2000, $0x38;
	[tilespmem:$0x1CF40] =	vst v63  }
0x50: {  	s28 =	sadd.s32 s28, s23;
	s18 =	sshrl.u32 s5, $0x3;
	_ =	swait.ge [sflag:s3], $0x2000  }
0x51: {  	s28 =	sadd.s32 $0x800, s28;
	s26 =	smul.u32 $0x3E000, s18;
	[sflag:s3] =	ssyncset.done $0x0  }
0x52: {  	s25 =	simm.s32 $0xCF40;
	[sflag:s3] =	ssyncadd.s32 $0xFFFFE000;
	s3 =	simm.s32 $0x4  }
0x53: {  	[hbm4b:s28+s19] =	stream.linear.scatter [tilespmem:s25], [sflag:$0xD], $0x2000, $0x38;
	[tilespmem:$0x1CF40] =	vst v63  }
0x54: {  	s18 =	simm.s32 $0xEF40;
	s26 =	sadd.s32 s26, s23;
	_ =	swait.ge [sflag:s3], $0x2000  }
0x55: {  	s26 =	sadd.s32 $0xC00, s26;
	s28 =	sshrl.u32 s6, $0x3;
	[sflag:s3] =	ssyncset.done $0x0  }
0x56: {  	s25 =	simm.s32 $0x5;
	s28 =	smul.u32 $0x3E000, s28;
	[sflag:s3] =	ssyncadd.s32 $0xFFFFE000  }
0x57: {  	[hbm4b:s26+s19] =	stream.linear.scatter [tilespmem:s18], [sflag:$0xE], $0x2000, $0x38;
	[tilespmem:$0x1CF40] =	vst v63  }
0x58: {  	s3 =	sshrl.u32 s7, $0x3;
	s28 =	sadd.s32 s28, s23;
	_ =	swait.ge [sflag:s25], $0x2000  }
0x59: {  	s26 =	smul.u32 $0x3E000, s3;
	s28 =	sadd.s32 $0x1000, s28;
	[sflag:s25] =	ssyncset.done $0x0  }
0x5a: {  	s18 =	simm.s32 $0x10F40;
	[sflag:s25] =	ssyncadd.s32 $0xFFFFE000;
	s25 =	simm.s32 $0x6  }
0x5b: {  	[hbm4b:s28+s19] =	stream.linear.scatter [tilespmem:s18], [sflag:$0xF], $0x2000, $0x38;
	[tilespmem:$0x1CF40] =	vst v63  }
0x5c: {  	s29 =	simm.s32 $0x8;
	p2 =	sne.s32 s24, $0x17C;
	_ =	swait.ge [sflag:s25], $0x2000  }
0x5d: {  	s3 =	simm.s32 $0x12F40;
	s26 =	sadd.s32 s26, s23;
	[sflag:s25] =	ssyncset.done $0x0  }
0x5e: {  	s26 =	sadd.s32 $0x1400, s26;
	s28 =	sshrl.u32 s8, $0x3;
	[sflag:s25] =	ssyncadd.s32 $0xFFFFE000  }
0x5f: {  	[hbm4b:s26+s19] =	stream.linear.scatter [tilespmem:s3], [sflag:$0x10], $0x2000, $0x38;
	[tilespmem:$0x1CF40] =	vst v63  }
0x60: {  	s18 =	sshrl.u32 s9, $0x3;
	s28 =	smul.u32 $0x3E000, s28;
	s3 =	simm.s32 $0x7  }
0x61: {  	s2 =	smul.u32 $0x3E000, s18;
	s18 =	simm.s32 $0x16F40;
	_ =	swait.ge [sflag:s3], $0x2000  }
0x62: {  	s28 =	sadd.s32 s28, s23;
	s25 =	simm.s32 $0x14F40;
	[sflag:s3] =	ssyncset.done $0x0  }
0x63: {  	s2 =	sadd.s32 s2, s23;
	s28 =	sadd.s32 $0x1800, s28;
	[sflag:s3] =	ssyncadd.s32 $0xFFFFE000  }
0x64: {  	[hbm4b:s28+s19] =	stream.linear.scatter [tilespmem:s25], [sflag:$0x11], $0x2000, $0x38;
	[tilespmem:$0x1CF40] =	vst v63  }
0x65: {  	s26 =	sshll.u32 s13, $0x8;
	s2 =	sadd.s32 $0x1C00, s2;
	s25 =	sshrl.u32 s10, $0x3  }
0x66: {  	s3 =	sshll.u32 s11, $0x6;
	_ =	swait.ge [sflag:s29], $0x2000;
	s25 =	smul.u32 $0x3E000, s25  }
0x67: {  	s28 =	sshll.u32 s11, $0x8;
	s3 =	sand.u32 $0xE00, s3;
	[sflag:s29] =	ssyncset.done $0x0  }
0x68: {  	[sflag:s29] =	ssyncadd.s32 $0xFFFFE000;
	s29 =	simm.s32 $0x9;
	s25 =	sadd.s32 s25, s23  }
0x69: {  	[hbm4b:s2+s19] =	stream.linear.scatter [tilespmem:s18], [sflag:$0x12], $0x2000, $0x38;
	[tilespmem:$0x1CF40] =	vst v63  }
0x6a: {  	s2 =	sand.u32 $0xFFFFC000, s28;
	s28 =	sshrl.u32 s12, $0x3;
	_ =	swait.ge [sflag:s29], $0x2000  }
0x6b: {  	s25 =	sadd.s32 $0x2000, s25;
	s18 =	simm.s32 $0x18F40;
	[sflag:s29] =	ssyncset.done $0x0  }
0x6c: {  	s28 =	smul.u32 $0x3E000, s28;
	s2 =	sor.u32 s3, s2;
	[sflag:s29] =	ssyncadd.s32 $0xFFFFE000  }
0x6d: {  	[hbm4b:s25+s19] =	stream.linear.scatter [tilespmem:s18], [sflag:$0x13], $0x2000, $0x38;
	[tilespmem:$0x1CF40] =	vst v63  }
0x6e: {  	s29 =	simm.s32 $0xA;
	s25 =	sand.u32 $0xFFFFC000, s26;
	s26 =	sshll.u32 s11, $0xB  }
0x6f: {  	s18 =	sadd.s32 s28, s23;
	s28 =	simm.s32 $0xB;
	s23 =	sadd.s32 $0x2800, s23  }
0x70: {  	s11 =	sadd.s32 $0xA, s11;
	_ =	swait.ge [sflag:s29], $0x2000;
	s3 =	sand.u32 $0xFFFFC000, s26  }
0x71: {  	s26 =	sadd.s32 $0x2400, s18;
	[sflag:s29] =	ssyncset.done $0x0;
	s2 =	ssub.s32 s2, s3  }
0x72: {  	s18 =	simm.s32 $0x1AF40;
	[sflag:s29] =	ssyncadd.s32 $0xFFFFE000;
	s2 =	sshra.s32 s2, $0x2  }
0x73: {  	[hbm4b:s26+s19] =	stream.linear.scatter [tilespmem:s18], [sflag:$0x14], $0x2000, $0x38;
	[tilespmem:$0x1CF40] =	vst v63  }
0x74: {  	s29 =	simm.s32 $0xC;
	s19 =	simm.s32 $0x40;
	s18 =	sshll.u32 s14, $0x9  }
0x75: {  	s26 =	sshll.u32 s13, $0x6;
	_ =	swait.ge [sflag:s28], $0x2000;
	s3 =	sand.u32 $0xFFFFF000, s18  }
0x76: {  	s2 =	sadd.s32 s2, s20;
	[sflag:s28] =	ssyncset.done $0x0;
	s3 =	ssub.s32 s30, s3  }
0x77: {  	s18 =	simm.s32 $0x8F40;
	[sflag:s28] =	ssyncadd.s32 $0xFFFFE000;
	s3 =	sadd.s32 $0xFFFFF000, s3  }
0x78: {  	[tilespmem:s18], [sflag:$0x1] =	stream.indirect.gather [spmem:s22], $0x80, s2, s19, $0xb8;
	[tilespmem:$0x1CF40] =	vst v63  }
0x79: {  	s28 =	sshll.u32 s17, $0x8;
	s18 =	sand.u32 $0xE00, s26;
	s26 =	sadd.s32 $0xB, s24  }
0x7a: {  	s3 =	sand.u32 $0xFFFFFC00, s3;
	s2 =	sor.u32 s18, s25;
	s18 =	sshll.u32 s26, $0x6  }
0x7b: {  	s26 =	sshll.u32 s26, $0x4;
	_ =	swait.ge [sflag:s29], $0x2000;
	s25 =	sand.u32 $0x1F000, s18  }
0x7c: {  	s18 =	sshll.u32 s15, $0x8;
	s26 =	sand.u32 $0x380, s26;
	[sflag:s29] =	ssyncset.done $0x0  }
0x7d: {  	s3 =	sadd.s32 s3, s25;
	s25 =	sand.u32 $0xFFFFC000, s18;
	s18 =	sshll.u32 s13, $0xB  }
0x7e: {  	[sflag:s29] =	ssyncadd.s32 $0xFFFFE000;
	s29 =	simm.s32 $0xD;
	s3 =	sor.u32 s26, s3  }
0x7f: {  	s26 =	sand.u32 $0xFFFFC000, s18;
	s18 =	simm.s32 $0xAF40;
	s3 =	sor.u32 $0x40, s3  }
0x80: {  	[tilespmem:s18], [sflag:$0x2] =	stream.indirect.gather [spmem:s22], $0x80, s3, s19, $0xb8;
	[tilespmem:$0x1CF40] =	vst v63  }
0x81: {  	s13 =	sadd.s32 $0xA, s13;
	s2 =	ssub.s32 s2, s26;
	s3 =	sshll.u32 s15, $0x6  }
0x82: {  	s18 =	sshll.u32 s16, $0x9;
	s2 =	sshra.s32 s2, $0x2;
	_ =	swait.ge [sflag:s29], $0x2000  }
0x83: {  	s26 =	sand.u32 $0xFFFFF000, s18;
	s2 =	sadd.s32 s2, s31;
	[sflag:s29] =	ssyncset.done $0x0  }
0x84: {  	s18 =	simm.s32 $0xCF40;
	s26 =	ssub.s32 s30, s26;
	[sflag:s29] =	ssyncadd.s32 $0xFFFFE000  }
0x85: {  	[tilespmem:s18], [sflag:$0x3] =	stream.indirect.gather [spmem:s22], $0x80, s2, s19, $0xb8;
	[tilespmem:$0x1CF40] =	vst v63  }
0x86: {  	s26 =	sadd.s32 $0xFFFFF400, s26;
	s29 =	simm.s32 $0xE;
	s18 =	sand.u32 $0xE00, s3  }
0x87: {  	s3 =	sadd.s32 $0xD, s24;
	s26 =	sand.u32 $0xFFFFFC00, s26;
	s2 =	sor.u32 s18, s25  }
0x88: {  	s18 =	sshll.u32 s3, $0x6;
	s3 =	sshll.u32 s3, $0x4;
	_ =	swait.ge [sflag:s29], $0x2000  }
0x89: {  	s25 =	sand.u32 $0x1F000, s18;
	s3 =	sand.u32 $0x380, s3;
	s18 =	sshll.u32 s15, $0xB  }
0x8a: {  	[sflag:s29] =	ssyncset.done $0x0;
	s15 =	sadd.s32 $0xA, s15;
	s25 =	sadd.s32 s26, s25  }
0x8b: {  	[sflag:s29] =	ssyncadd.s32 $0xFFFFE000;
	s29 =	rddreg [dreg:$0x18];
	s26 =	simm.s32 $0xEF40  }
0x8c: {  	s3 =	sor.u32 s3, s25;
	s25 =	sand.u32 $0xFFFFC000, s18;
	s18 =	sshll.u32 s0, $0x9  }
0x8d: {  	s3 =	sor.u32 $0x40, s3;
	s2 =	ssub.s32 s2, s25;
	s25 =	sand.u32 $0xFFFFF000, s18  }
0x8e: {  	[tilespmem:s26], [sflag:$0x4] =	stream.indirect.gather [spmem:s22], $0x80, s3, s19, $0xb8;
	[tilespmem:$0x1CF40] =	vst v63  }
0x8f: {  	s18 =	sshll.u32 s17, $0x6;
	s3 =	sand.u32 $0xFFFFC000, s28;
	s26 =	simm.s32 $0xF  }
0x90: {  	s2 =	sshra.s32 s2, $0x2;
	s25 =	ssub.s32 s30, s25;
	_ =	swait.ge [sflag:s26], $0x2000  }
0x91: {  	s2 =	sadd.s32 s2, s1;
	s25 =	sadd.s32 $0xFFFFF800, s25;
	[sflag:s26] =	ssyncset.done $0x0  }
0x92: {  	s25 =	sand.u32 $0xFFFFFC00, s25;
	[sflag:s26] =	ssyncadd.s32 $0xFFFFE000;
	s26 =	simm.s32 $0x10F40  }
0x93: {  	[tilespmem:s26], [sflag:$0x5] =	stream.indirect.gather [spmem:s22], $0x80, s2, s19, $0xb8;
	[tilespmem:$0x1CF40] =	vst v63  }
0x94: {  	s26 =	sadd.s32 $0xF, s24;
	s2 =	sand.u32 $0xE00, s18;
	s18 =	sshll.u32 s21, $0x8  }
0x95: {  	s28 =	sshll.u32 s26, $0x6;
	s2 =	sor.u32 s2, s3;
	s26 =	sshll.u32 s26, $0x4  }
0x96: {  	s0 =	sand.u32 $0x1F000, s28;
	s28 =	simm.s32 $0x10;
	s26 =	sand.u32 $0x380, s26  }
0x97: {  	s3 =	sadd.s32 s25, s0;
	s25 =	sand.u32 $0xFFFFC000, s18;
	_ =	swait.ge [sflag:s28], $0x2000  }
0x98: {  	s0 =	sshll.u32 s17, $0xB;
	s18 =	simm.s32 $0x12F40;
	s17 =	sadd.s32 $0xA, s17  }
0x99: {  	s3 =	sor.u32 s26, s3;
	[sflag:s28] =	ssyncset.done $0x0;
	s26 =	sand.u32 $0xFFFFC000, s0  }
0x9a: {  	[sflag:s28] =	ssyncadd.s32 $0xFFFFE000;
	s3 =	sor.u32 $0x40, s3;
	s28 =	simm.s32 $0x11  }
0x9b: {  	[tilespmem:s18], [sflag:$0x6] =	stream.indirect.gather [spmem:s22], $0x80, s3, s19, $0xb8;
	[tilespmem:$0x1CF40] =	vst v63  }
0x9c: {  	s2 =	ssub.s32 s2, s26;
	s3 =	sshll.u32 s21, $0x6;
	_ =	swait.ge [sflag:s28], $0x2000  }
0x9d: {  	s2 =	sshra.s32 s2, $0x2;
	s0 =	rddreg [dreg:$0x1a];
	[sflag:s28] =	ssyncset.done $0x0  }
0x9e: {  	s18 =	sshll.u32 s0, $0x9;
	[sflag:s28] =	ssyncadd.s32 $0xFFFFE000;
	s28 =	simm.s32 $0x14F40  }
0x9f: {  	s26 =	sand.u32 $0xFFFFF000, s18;
	s18 =	smov.u32 s16;
	s16 =	smov.u32 s14  }
0xa0: {  	s14 =	smov.u32 s12;
	s12 =	smov.u32 s10;
	s10 =	smov.u32 s9  }
0xa1: {  	s9 =	smov.u32 s8;
	s8 =	smov.u32 s7;
	s7 =	smov.u32 s6  }
0xa2: {  	s6 =	smov.u32 s5;
	s5 =	smov.u32 s4;
	s4 =	smov.u32 s20  }
0xa3: {  	s20 =	smov.u32 s31;
	s31 =	smov.u32 s1;
	s1 =	rddreg [dreg:$0x19]  }
0xa4: {  	s0 =	sadd.s32 $0xA, s0;
	s2 =	sadd.s32 s2, s1;
	s26 =	ssub.s32 s30, s26  }
0xa5: {  	[tilespmem:s28], [sflag:$0x7] =	stream.indirect.gather [spmem:s22], $0x80, s2, s19, $0xb8;
	[tilespmem:$0x1CF40] =	vst v63  }
0xa6: {  	s1 =	sadd.s32 $0x1400, s1;
	s2 =	sand.u32 $0xE00, s3;
	s3 =	sadd.s32 $0x11, s24  }
0xa7: {  	s26 =	sadd.s32 $0xFFFFFC00, s26;
	s2 =	sor.u32 s2, s25;
	s25 =	sshll.u32 s3, $0x6  }
0xa8: {  	s26 =	sand.u32 $0xFFFFFC00, s26;
	s3 =	sshll.u32 s3, $0x4;
	s25 =	sand.u32 $0x1F000, s25  }
0xa9: {  	s3 =	sand.u32 $0x380, s3;
	s25 =	sadd.s32 s26, s25;
	s26 =	simm.s32 $0x12  }
0xaa: {  	_ =	swait.ge [sflag:s26], $0x2000;
	s3 =	sor.u32 s3, s25;
	s25 =	sshll.u32 s21, $0xB  }
0xab: {  	[sflag:s26] =	ssyncset.done $0x0;
	s25 =	sand.u32 $0xFFFFC000, s25;
	s3 =	sor.u32 $0x40, s3  }
0xac: {  	[sflag:s26] =	ssyncadd.s32 $0xFFFFE000;
	s26 =	simm.s32 $0x16F40;
	s2 =	ssub.s32 s2, s25  }
0xad: {  	[tilespmem:s26], [sflag:$0x8] =	stream.indirect.gather [spmem:s22], $0x80, s3, s19, $0xb8;
	[tilespmem:$0x1CF40] =	vst v63  }
0xae: {  	s28 =	simm.s32 $0x18F40;
	s25 =	simm.s32 $0x13;
	s2 =	sshra.s32 s2, $0x2  }
0xaf: {  	s21 =	sadd.s32 $0xA, s21;
	_ =	swait.ge [sflag:s25], $0x2000;
	s2 =	sadd.s32 s2, s29  }
0xb0: {  	s29 =	sadd.s32 $0x1400, s29;
	[sflag:s25] =	ssyncset.done $0x0;
	s26 =	rddreg [dreg:$0x1c]  }
0xb1: {  	s3 =	sshll.u32 s26, $0x9;
	[sflag:s25] =	ssyncadd.s32 $0xFFFFE000;
	s25 =	simm.s32 $0x18F40  }
0xb2: {  	[tilespmem:s25], [sflag:$0x9] =	stream.indirect.gather [spmem:s22], $0x80, s2, s19, $0xb8;
	[tilespmem:$0x1CF40] =	vst v63  }
0xb3: {  	s26 =	sadd.s32 $0xA, s26;
	s2 =	sand.u32 $0xFFFFF000, s3;
	s3 =	sadd.s32 $0x13, s24  }
0xb4: {  	s24 =	sadd.s32 $0xA, s24;
	s25 =	sshll.u32 s3, $0x6;
	s2 =	ssub.s32 s30, s2  }
0xb5: {  	s3 =	sshll.u32 s3, $0x4;
	s25 =	sand.u32 $0x1F000, s25;
	s2 =	sand.u32 $0xFFFFFC00, s2  }
0xb6: {  	s30 =	sadd.s32 $0x1400, s30;
	s2 =	sadd.s32 s2, s25;
	s25 =	simm.s32 $0x14  }
0xb7: {  	s3 =	sand.u32 $0x380, s3;
	_ =	swait.ge [sflag:s25], $0x2000;
	[dreg:$0x1c] =	wrdreg s26  }
0xb8: {  	s2 =	sor.u32 s3, s2;
	s3 =	simm.s32 $0x1AF40;
	[dreg:$0x1a] =	wrdreg s0  }
0xb9: {  	[dreg:$0x19] =	wrdreg s1;
	s1 =	smov.u32 s31;
	s31 =	smov.u32 s20  }
0xba: {  	s20 =	smov.u32 s4;
	s4 =	smov.u32 s5;
	s5 =	smov.u32 s6  }
0xbb: {  	s6 =	smov.u32 s7;
	s7 =	smov.u32 s8;
	s8 =	smov.u32 s9  }
0xbc: {  	s9 =	smov.u32 s10;
	s10 =	smov.u32 s12;
	[sflag:s25] =	ssyncset.done $0x0  }
0xbd: {  	s2 =	sor.u32 $0x40, s2;
	s26 =	rddreg [dreg:$0x1b];
	s1 =	sadd.s32 $0x1400, s1  }
0xbe: {  	s31 =	sadd.s32 $0x1400, s31;
	s20 =	sadd.s32 $0x1400, s20;
	s10 =	sadd.s32 $0xA, s10  }
0xbf: {  	s9 =	sadd.s32 $0xA, s9;
	s8 =	sadd.s32 $0xA, s8;
	s7 =	sadd.s32 $0xA, s7  }
.Ltmp0:
0xc0: {  	s6 =	sadd.s32 $0xA, s6;
	s5 =	sadd.s32 $0xA, s5;
	(pc) =	sbr.rel @p2 .LBB2_2-.Ltmp0, $4  }
0xc1: {  	s4 =	sadd.s32 $0xA, s4;
	[sflag:s25] =	ssyncadd.s32 $0xFFFFE000;
	s25 =	simm.s32 $0x1AF40  }
0xc2: {  	[tilespmem:s3], [sflag:$0xA] =	stream.indirect.gather [spmem:s22], $0x80, s2, s19, $0xb8;
	[tilespmem:$0x1CF40] =	vst v63  }
0xc3: {  	s0 =	sadd.s32 $0xA, s26;
	s2 =	smov.u32 s14;
	s3 =	smov.u32 s16  }
0xc4: {  	s16 =	sadd.s32 $0xA, s18;
	s14 =	sadd.s32 $0xA, s3;
	s12 =	sadd.s32 $0xA, s2  }
0xc5: {  	s1 =	simm.s32 $0x1  }
0xc6: {  	_ =	swait.ge [sflag:s1], $0x2000  }
0xc7: {  	s15 =	simm.s32 $0x0;
	s3 =	simm.s32 $0x8F40;
	[sflag:s1] =	ssyncset.done $0x0  }
0xc8: {  	s16 =	simm.s32 $0x2;
	s2 =	rddreg [dreg:$0x6];
	[sflag:s1] =	ssyncadd.s32 $0xFFFFE000  }
0xc9: {  	[hbm4b:s2+s15] =	stream.linear.scatter [tilespmem:s3], [sflag:$0xB], $0x2000, $0x38;
	[tilespmem:$0x1CF40] =	vst v63  }
0xca: {  	_ =	swait.ge [sflag:s16], $0x2000  }
0xcb: {  	s18 =	simm.s32 $0xAF40;
	[sflag:s16] =	ssyncset.done $0x0  }
0xcc: {  	s20 =	simm.s32 $0x3;
	s17 =	rddreg [dreg:$0x8];
	[sflag:s16] =	ssyncadd.s32 $0xFFFFE000  }
0xcd: {  	[hbm4b:s17+s15] =	stream.linear.scatter [tilespmem:s18], [sflag:$0xC], $0x2000, $0x38;
	[tilespmem:$0x1CF40] =	vst v63  }
0xce: {  	_ =	swait.ge [sflag:s20], $0x2000  }
0xcf: {  	s23 =	simm.s32 $0xCF40;
	[sflag:s20] =	ssyncset.done $0x0  }
0xd0: {  	s24 =	simm.s32 $0x4;
	s21 =	rddreg [dreg:$0xc];
	[sflag:s20] =	ssyncadd.s32 $0xFFFFE000  }
0xd1: {  	[hbm4b:s21+s15] =	stream.linear.scatter [tilespmem:s23], [sflag:$0xD], $0x2000, $0x38;
	[tilespmem:$0x1CF40] =	vst v63  }
0xd2: {  	_ =	swait.ge [sflag:s24], $0x2000  }
0xd3: {  	s29 =	simm.s32 $0xEF40;
	[sflag:s24] =	ssyncset.done $0x0  }
0xd4: {  	s30 =	simm.s32 $0x5;
	s26 =	rddreg [dreg:$0x9];
	[sflag:s24] =	ssyncadd.s32 $0xFFFFE000  }
0xd5: {  	[hbm4b:s26+s15] =	stream.linear.scatter [tilespmem:s29], [sflag:$0xE], $0x2000, $0x38;
	[tilespmem:$0x1CF40] =	vst v63  }
0xd6: {  	_ =	swait.ge [sflag:s30], $0x2000  }
0xd7: {  	s0 =	simm.s32 $0x10F40;
	[sflag:s30] =	ssyncset.done $0x0  }
0xd8: {  	s3 =	simm.s32 $0x6;
	s31 =	rddreg [dreg:$0xa];
	[sflag:s30] =	ssyncadd.s32 $0xFFFFE000  }
0xd9: {  	[hbm4b:s31+s15] =	stream.linear.scatter [tilespmem:s0], [sflag:$0xF], $0x2000, $0x38;
	[tilespmem:$0x1CF40] =	vst v63  }
0xda: {  	_ =	swait.ge [sflag:s3], $0x2000  }
0xdb: {  	s5 =	simm.s32 $0x12F40;
	[sflag:s3] =	ssyncset.done $0x0  }
0xdc: {  	s6 =	simm.s32 $0x7;
	s4 =	rddreg [dreg:$0xb];
	[sflag:s3] =	ssyncadd.s32 $0xFFFFE000  }
0xdd: {  	[hbm4b:s4+s15] =	stream.linear.scatter [tilespmem:s5], [sflag:$0x10], $0x2000, $0x38;
	[tilespmem:$0x1CF40] =	vst v63  }
0xde: {  	_ =	swait.ge [sflag:s6], $0x2000  }
0xdf: {  	s8 =	simm.s32 $0x14F40;
	[sflag:s6] =	ssyncset.done $0x0  }
0xe0: {  	s9 =	simm.s32 $0x8;
	s7 =	rddreg [dreg:$0xd];
	[sflag:s6] =	ssyncadd.s32 $0xFFFFE000  }
0xe1: {  	[hbm4b:s7+s15] =	stream.linear.scatter [tilespmem:s8], [sflag:$0x11], $0x2000, $0x38;
	[tilespmem:$0x1CF40] =	vst v63  }
0xe2: {  	_ =	swait.ge [sflag:s9], $0x2000  }
0xe3: {  	s11 =	simm.s32 $0x9;
	[sflag:s9] =	ssyncset.done $0x0  }
0xe4: {  	s0 =	simm.s32 $0x16F40;
	s10 =	rddreg [dreg:$0xe];
	[sflag:s9] =	ssyncadd.s32 $0xFFFFE000  }
0xe5: {  	[hbm4b:s10+s15] =	stream.linear.scatter [tilespmem:s0], [sflag:$0x12], $0x2000, $0x38;
	[tilespmem:$0x1CF40] =	vst v63  }
0xe6: {  	_ =	swait.ge [sflag:s11], $0x2000  }
0xe7: {  	[sflag:s11] =	ssyncset.done $0x0  }
0xe8: {  	s13 =	simm.s32 $0xA;
	s12 =	rddreg [dreg:$0x10];
	[sflag:s11] =	ssyncadd.s32 $0xFFFFE000  }
0xe9: {  	[hbm4b:s12+s15] =	stream.linear.scatter [tilespmem:s28], [sflag:$0x13], $0x2000, $0x38;
	[tilespmem:$0x1CF40] =	vst v63  }
0xea: {  	_ =	swait.ge [sflag:s13], $0x2000  }
0xeb: {  	[sflag:s13] =	ssyncset.done $0x0  }
0xec: {  	s14 =	rddreg [dreg:$0x11];
	[sflag:s13] =	ssyncadd.s32 $0xFFFFE000  }
0xed: {  	[hbm4b:s14+s15] =	stream.linear.scatter [tilespmem:s25], [sflag:$0x14], $0x2000, $0x38;
	[tilespmem:$0x1CF40] =	vst v63  }
0xee: {  	s15 =	simm.s32 $0xB  }
0xef: {  	_ =	swait.ge [sflag:s15], $0x2000  }
0xf0: {  	[sflag:s15] =	ssyncset.done $0x0  }
0xf1: {  	s16 =	simm.s32 $0xC;
	[sflag:s15] =	ssyncadd.s32 $0xFFFFE000  }
0xf2: {  	_ =	swait.ge [sflag:s16], $0x2000  }
0xf3: {  	[sflag:s16] =	ssyncset.done $0x0  }
0xf4: {  	s17 =	simm.s32 $0xD;
	[sflag:s16] =	ssyncadd.s32 $0xFFFFE000  }
0xf5: {  	_ =	swait.ge [sflag:s17], $0x2000  }
0xf6: {  	[sflag:s17] =	ssyncset.done $0x0  }
0xf7: {  	s18 =	simm.s32 $0xE;
	[sflag:s17] =	ssyncadd.s32 $0xFFFFE000  }
0xf8: {  	_ =	swait.ge [sflag:s18], $0x2000  }
0xf9: {  	[sflag:s18] =	ssyncset.done $0x0  }
0xfa: {  	s20 =	simm.s32 $0xF;
	[sflag:s18] =	ssyncadd.s32 $0xFFFFE000  }
0xfb: {  	_ =	swait.ge [sflag:s20], $0x2000  }
0xfc: {  	[sflag:s20] =	ssyncset.done $0x0  }
0xfd: {  	s21 =	simm.s32 $0x10;
	[sflag:s20] =	ssyncadd.s32 $0xFFFFE000  }
0xfe: {  	_ =	swait.ge [sflag:s21], $0x2000  }
0xff: {  	[sflag:s21] =	ssyncset.done $0x0  }
0x100: {  	s23 =	simm.s32 $0x11;
	[sflag:s21] =	ssyncadd.s32 $0xFFFFE000  }
0x101: {  	_ =	swait.ge [sflag:s23], $0x2000  }
0x102: {  	[sflag:s23] =	ssyncset.done $0x0  }
0x103: {  	s24 =	simm.s32 $0x12;
	[sflag:s23] =	ssyncadd.s32 $0xFFFFE000  }
0x104: {  	_ =	swait.ge [sflag:s24], $0x2000  }
0x105: {  	[sflag:s24] =	ssyncset.done $0x0  }
0x106: {  	s26 =	simm.s32 $0x13;
	[sflag:s24] =	ssyncadd.s32 $0xFFFFE000  }
0x107: {  	_ =	swait.ge [sflag:s26], $0x2000  }
0x108: {  	[sflag:s26] =	ssyncset.done $0x0  }
0x109: {  	s29 =	simm.s32 $0x14;
	[sflag:s26] =	ssyncadd.s32 $0xFFFFE000  }
0x10a: {  	_ =	swait.ge [sflag:s29], $0x2000  }
0x10b: {  	s30 =	rddreg [dreg:$0x17]  }
0x10c: {  	s31 =	rddreg [dreg:$0x12];
	s2 =	sadd.s32 $0x1, s30  }
0x10d: {  	p2 =	sne.s32 s2, s31  }
.Ltmp1:
0x10e: {  	_ = 	snop;
	(pc) =	sbr.rel @p2 .LBB2_1-.Ltmp1, $3  }
0x10f: {  	_ =	sdelay $0x1  }
0x110: {  	[sflag:s29] =	ssyncset.done $0x0  }
0x111: {  	[sflag:s29] =	ssyncadd.s32 $0xFFFFE000  }
0x112: {  	_ =	sfence.sel $0x180000  }
0x113: {  	[bflag:$0x0] =	sbarrier.arrive $0xFFFF  }
0x114: {  	_ =	strace $0x90000047  }
0x115: {  	s0 =	stileid.u32;
	[bflag:$0x2] =	sbarrier.arrive $0xFFFF  }
0x116: {  	p0 =	sne.s32 s0, $0x0;
	s0 =	rddreg [dreg:$0x4]  }
0x117: {  	s0 =	sadd.s32 @!p0 $0x100000, s0  }
0x118: {  	[sflag:s0] =	ssyncadd.tile.s32 @!p0 $0x1;
	_ =	shalt  }
.Lfunc_end2:
_tile_overlayer_lowered:
.L_overlay_start_2:
0x119: {  	(tag) =	ssettag $0x2  }
0x11a: {  	s0 =	rddreg [dreg:$0x0];
	s2 =	stileid.u32  }
0x11b: {  	s1 =	rddreg [dreg:$0x1];
	p0 =	sne.s32 s2, $0x0  }
0x11c: {  	s3 =	rddreg [dreg:$0x2];
	[bflag:$0x3] =	sbarrier.arrive $0xFFFF;
	s2 =	simm.s32 @!p0 $0x1C16  }
0x11d: {  	[timem:s3], [sflag:s2] =	dma.local @!p0 [hbm:s0], s1  }
0x11e: {  	s0 =	simm.s32 @!p0 $0x16  }
0x11f: {  	_ =	swait.ge @!p0 [sflag:s0], s1  }
0x120: {  	s1 =	ssub.s32 @!p0 $0x0, s1;
	[sflag:s0] =	ssyncset.done @!p0 $0x0  }
0x121: {  	[sflag:s0] =	ssyncadd.s32 @!p0 s1  }
0x122: {  	[bflag:$0x3] =	sbarrier.arrive $0xFFFF  }
0x123: {  	_ =	shalt  }

</sc_bundles>
